<compile_context>
chip_gen: v7x
topology: tpu7x:2x2x1
jax: 0.10.2.dev20260603
libtpu: 0.0.44.dev20260713+nightly
codegen_flags: <defaults>
</compile_context>

<pallas_src>
import functools

import jax
import jax.numpy as jnp
from jax import lax
from jax.experimental import pallas as pl
from jax.experimental.pallas import tpu as pltpu
from jax.experimental.pallas import tpu_sc as plsc

NW = 32
DW = 128
ROWS = 256
NBUF = 5


def kernel(x, table):
    B, H = x.shape
    V, D = table.shape
    total = B * H
    per_w = total // NW
    n_ch = per_w // ROWS

    x_resh = x.reshape(NW, per_w).astype(jnp.int32)
    mesh = plsc.VectorSubcoreMesh(core_axis_name="c", subcore_axis_name="s")

    @functools.partial(
        pl.kernel,
        out_type=jax.ShapeDtypeStruct((total, DW), jnp.float32),
        mesh=mesh,
        scratch_types=[
            pltpu.VMEM((per_w,), jnp.int32),
            pltpu.VMEM((NBUF, ROWS, D), jnp.float32),
            pltpu.SemaphoreType.DMA,
            pltpu.SemaphoreType.DMA,
        ],
        compiler_params=pltpu.CompilerParams(use_tc_tiling_on_sc=False),
    )
    def emb(x_hbm, table_hbm, out_hbm, idx_v, buf, sem_g, sem_w):
        wid = lax.axis_index("s") * 2 + lax.axis_index("c")
        base = wid * per_w
        pltpu.sync_copy(x_hbm.at[wid], idx_v)

        def group(g, carry):
            gathers = []
            for b in range(NBUF):
                j = (g * NBUF + b) * ROWS
                gathers.append(
                    pltpu.async_copy(
                        table_hbm.at[idx_v.at[pl.ds(j, ROWS)]], buf.at[b], sem_g
                    )
                )
            writes = []
            for b in range(NBUF):
                j = (g * NBUF + b) * ROWS
                gathers[b].wait()
                writes.append(
                    pltpu.async_copy(
                        buf.at[b],
                        out_hbm.at[pl.ds(base + j, ROWS), pl.ds(0, D)],
                        sem_w,
                    )
                )
            for b in range(NBUF):
                writes[b].wait()
            return carry

        lax.fori_loop(0, n_ch // NBUF, group, 0)

    out = emb(x_resh, table)
    return out[:, :D].reshape(B, H, D)

# --- scband reference (transcript-rebuilt; emitter-appended) ---
"""Pipeline reference for scband-word-embeddings-29308856828675 (READ-ONLY COPY).

The authoritative reference and input builder live on the scoring server;
editing this copy changes nothing except your own understanding.
"""

import jax, jax.numpy as jnp
import numpy as np

VOCAB = 1000000
EMB_DIM = 64
BATCH = 4096
HIST = 200

def setup_inputs(seed: int = 0) -> dict:
    key = jax.random.key(seed)
    k_idx, k_tab = jax.random.split(key)
    x = jax.random.randint(k_idx, (BATCH, HIST), 0, VOCAB, dtype=jnp.int64 if jax.config.read('jax_enable_x64') else jnp.int32)
    # nn.Embedding default init: N(0, 1)
    table = jax.random.normal(k_tab, (VOCAB, EMB_DIM), dtype=jnp.float32)
    return {"x": x, "table": table}

def reference(x, table):
    # embedding lookup: nn.Embedding(x)
    out = jnp.take(table, x, axis=0)
    # dropout with p=0 is identity (and eval-mode dropout is identity anyway)
    return out

if __name__ == "__main__":
    import jax
    _d = setup_inputs()
    print(jax.jit(kernel)(*tuple(_d.values())))

</pallas_src>

<mosaic_0001>
#map = affine_map<(d0, d1) -> (0, 0)>
module attributes {stable_mosaic.version = 14 : i64} {
  func.func @emb(%arg0: i32, %arg1: i32, %arg2: memref<32x25600xi32, #tpu.memory_space<hbm>>, %arg3: memref<1000000x64xf32, #tpu.memory_space<hbm>>, %arg4: memref<819200x128xf32, #tpu.memory_space<hbm>>, %arg5: memref<25600xi32, #tpu.memory_space<vmem>>, %arg6: memref<5x256x64xf32, #tpu.memory_space<vmem>>, %arg7: memref<!tpu.dma_semaphore, #tpu.memory_space<semaphore_mem>>, %arg8: memref<!tpu.dma_semaphore, #tpu.memory_space<semaphore_mem>>) attributes {dimension_semantics = [#tpu.dimension_semantics<core_parallel>, #tpu.dimension_semantics<subcore_parallel>], iteration_bounds = array<i64: 2, 16>, scalar_prefetch = 0 : i64, scratch_operands = 4 : i64, tpu.core_type = #tpu.core_type<sc_vector_subcore>, window_params = [{transform_indices = #map}, {transform_indices = #map}, {transform_indices = #map}]} {
    %mul3A = arith.constant 2 : i32
    %mul3A_0 = arith.muli %arg1, %mul3A : i32
    %add3A = arith.addi %mul3A_0, %arg0 : i32
    %mul3A_1 = arith.constant 25600 : i32
    %mul3A_2 = arith.muli %add3A, %mul3A_1 : i32
    "tpu.region"() ({
      %run_scoped3A = tpu.sem_alloc : memref<!tpu.dma_semaphore, #tpu.memory_space<semaphore_mem>>
      %dma_start3A = arith.constant 0 : i32
      %dma_start3A_8 = tpu.memref_slice %arg2[%add3A, %dma_start3A] : memref<32x25600xi32, #tpu.memory_space<hbm>> -> memref<1x25600xi32, #tpu.memory_space<hbm>>
      %dma_start3A_9 = tpu.memref_squeeze %dma_start3A_8 : memref<1x25600xi32, #tpu.memory_space<hbm>> -> memref<25600xi32, #tpu.memory_space<hbm>>
      %dma_start3A_10 = arith.constant 0 : i32
      %dma_start3A_11 = tpu.memref_slice %arg2[%add3A, %dma_start3A_10] : memref<32x25600xi32, #tpu.memory_space<hbm>> -> memref<1x25600xi32, #tpu.memory_space<hbm>>
      %dma_start3A_12 = tpu.memref_squeeze %dma_start3A_11 : memref<1x25600xi32, #tpu.memory_space<hbm>> -> memref<25600xi32, #tpu.memory_space<hbm>>
      tpu.enqueue_dma source(%dma_start3A_12 : memref<25600xi32, #tpu.memory_space<hbm>>) target(%arg5 : memref<25600xi32, #tpu.memory_space<vmem>>) target_semaphore(%run_scoped3A : memref<!tpu.dma_semaphore, #tpu.memory_space<semaphore_mem>>)
      %dma_wait3A = arith.constant 0 : i32
      %dma_wait3A_13 = tpu.memref_slice %arg2[%add3A, %dma_wait3A] : memref<32x25600xi32, #tpu.memory_space<hbm>> -> memref<1x25600xi32, #tpu.memory_space<hbm>>
      %dma_wait3A_14 = tpu.memref_squeeze %dma_wait3A_13 : memref<1x25600xi32, #tpu.memory_space<hbm>> -> memref<25600xi32, #tpu.memory_space<hbm>>
      %dma_wait3A_15 = arith.constant 0 : i32
      %dma_wait3A_16 = tpu.memref_slice %arg2[%add3A, %dma_wait3A_15] : memref<32x25600xi32, #tpu.memory_space<hbm>> -> memref<1x25600xi32, #tpu.memory_space<hbm>>
      %dma_wait3A_17 = tpu.memref_squeeze %dma_wait3A_16 : memref<1x25600xi32, #tpu.memory_space<hbm>> -> memref<25600xi32, #tpu.memory_space<hbm>>
      tpu.wait_dma2 semaphore(%run_scoped3A : memref<!tpu.dma_semaphore, #tpu.memory_space<semaphore_mem>>) src(%dma_wait3A_17 : memref<25600xi32, #tpu.memory_space<hbm>>) dst(%arg5 : memref<25600xi32, #tpu.memory_space<vmem>>)
      tpu.yield
    }) : () -> ()
    %scan3A = arith.constant 0 : i32
    %scan3A_3 = arith.constant 0 : i32
    %scan3A_4 = arith.constant 20 : i32
    %scan3A_5 = arith.addi %scan3A_3, %scan3A_4 : i32
    %scan3A_6 = arith.constant 1 : i32
    scf.for %scan3A_8 = %scan3A_3 to %scan3A_5 step %scan3A_6  : i32 {
      %mul3A_9 = arith.constant 5 : i32
      %mul3A_10 = arith.muli %scan3A_8, %mul3A_9 : i32
      %add3A_11 = arith.constant 0 : i32
      %add3A_12 = arith.addi %mul3A_10, %add3A_11 : i32
      %mul3A_13 = arith.constant 256 : i32
      %mul3A_14 = arith.muli %add3A_12, %mul3A_13 : i32
      %dma_start3A = arith.constant 0 : i32
      %dma_start3A_15 = arith.constant 0 : i32
      %dma_start3A_16 = arith.constant 0 : i32
      %dma_start3A_17 = tpu.memref_slice %arg6[%dma_start3A, %dma_start3A_15, %dma_start3A_16] : memref<5x256x64xf32, #tpu.memory_space<vmem>> -> memref<1x256x64xf32, #tpu.memory_space<vmem>>
      %dma_start3A_18 = tpu.memref_squeeze %dma_start3A_17 : memref<1x256x64xf32, #tpu.memory_space<vmem>> -> memref<256x64xf32, #tpu.memory_space<vmem>>
      %dma_start3A_19 = tpu.memref_slice %arg5[%mul3A_14] : memref<25600xi32, #tpu.memory_space<vmem>> -> memref<256xi32, #tpu.memory_space<vmem>>
      %dma_start3A_20 = arith.constant 0 : i32
      %dma_start3A_21 = arith.constant 0 : i32
      %dma_start3A_22 = tpu.memref_slice %arg3[%dma_start3A_20, %dma_start3A_21] : memref<1000000x64xf32, #tpu.memory_space<hbm>> -> memref<1000000x64xf32, #tpu.memory_space<hbm>>
      tpu.enqueue_indirect_dma source(%dma_start3A_22 : memref<1000000x64xf32, #tpu.memory_space<hbm>>) target(%dma_start3A_18 : memref<256x64xf32, #tpu.memory_space<vmem>>) offsets(%dma_start3A_19 : memref<256xi32, #tpu.memory_space<vmem>>) semaphore(%arg7 : memref<!tpu.dma_semaphore, #tpu.memory_space<semaphore_mem>>)
      %mul3A_23 = arith.constant 5 : i32
      %mul3A_24 = arith.muli %scan3A_8, %mul3A_23 : i32
      %add3A_25 = arith.constant 1 : i32
      %add3A_26 = arith.addi %mul3A_24, %add3A_25 : i32
      %mul3A_27 = arith.constant 256 : i32
      %mul3A_28 = arith.muli %add3A_26, %mul3A_27 : i32
      %dma_start3A_29 = arith.constant 1 : i32
      %dma_start3A_30 = arith.constant 0 : i32
      %dma_start3A_31 = arith.constant 0 : i32
      %dma_start3A_32 = tpu.memref_slice %arg6[%dma_start3A_29, %dma_start3A_30, %dma_start3A_31] : memref<5x256x64xf32, #tpu.memory_space<vmem>> -> memref<1x256x64xf32, #tpu.memory_space<vmem>>
      %dma_start3A_33 = tpu.memref_squeeze %dma_start3A_32 : memref<1x256x64xf32, #tpu.memory_space<vmem>> -> memref<256x64xf32, #tpu.memory_space<vmem>>
      %dma_start3A_34 = tpu.memref_slice %arg5[%mul3A_28] : memref<25600xi32, #tpu.memory_space<vmem>> -> memref<256xi32, #tpu.memory_space<vmem>>
      %dma_start3A_35 = arith.constant 0 : i32
      %dma_start3A_36 = arith.constant 0 : i32
      %dma_start3A_37 = tpu.memref_slice %arg3[%dma_start3A_35, %dma_start3A_36] : memref<1000000x64xf32, #tpu.memory_space<hbm>> -> memref<1000000x64xf32, #tpu.memory_space<hbm>>
      tpu.enqueue_indirect_dma source(%dma_start3A_37 : memref<1000000x64xf32, #tpu.memory_space<hbm>>) target(%dma_start3A_33 : memref<256x64xf32, #tpu.memory_space<vmem>>) offsets(%dma_start3A_34 : memref<256xi32, #tpu.memory_space<vmem>>) semaphore(%arg7 : memref<!tpu.dma_semaphore, #tpu.memory_space<semaphore_mem>>)
      %mul3A_38 = arith.constant 5 : i32
      %mul3A_39 = arith.muli %scan3A_8, %mul3A_38 : i32
      %add3A_40 = arith.constant 2 : i32
      %add3A_41 = arith.addi %mul3A_39, %add3A_40 : i32
      %mul3A_42 = arith.constant 256 : i32
      %mul3A_43 = arith.muli %add3A_41, %mul3A_42 : i32
      %dma_start3A_44 = arith.constant 2 : i32
      %dma_start3A_45 = arith.constant 0 : i32
      %dma_start3A_46 = arith.constant 0 : i32
      %dma_start3A_47 = tpu.memref_slice %arg6[%dma_start3A_44, %dma_start3A_45, %dma_start3A_46] : memref<5x256x64xf32, #tpu.memory_space<vmem>> -> memref<1x256x64xf32, #tpu.memory_space<vmem>>
      %dma_start3A_48 = tpu.memref_squeeze %dma_start3A_47 : memref<1x256x64xf32, #tpu.memory_space<vmem>> -> memref<256x64xf32, #tpu.memory_space<vmem>>
      %dma_start3A_49 = tpu.memref_slice %arg5[%mul3A_43] : memref<25600xi32, #tpu.memory_space<vmem>> -> memref<256xi32, #tpu.memory_space<vmem>>
      %dma_start3A_50 = arith.constant 0 : i32
      %dma_start3A_51 = arith.constant 0 : i32
      %dma_start3A_52 = tpu.memref_slice %arg3[%dma_start3A_50, %dma_start3A_51] : memref<1000000x64xf32, #tpu.memory_space<hbm>> -> memref<1000000x64xf32, #tpu.memory_space<hbm>>
      tpu.enqueue_indirect_dma source(%dma_start3A_52 : memref<1000000x64xf32, #tpu.memory_space<hbm>>) target(%dma_start3A_48 : memref<256x64xf32, #tpu.memory_space<vmem>>) offsets(%dma_start3A_49 : memref<256xi32, #tpu.memory_space<vmem>>) semaphore(%arg7 : memref<!tpu.dma_semaphore, #tpu.memory_space<semaphore_mem>>)
      %mul3A_53 = arith.constant 5 : i32
      %mul3A_54 = arith.muli %scan3A_8, %mul3A_53 : i32
      %add3A_55 = arith.constant 3 : i32
      %add3A_56 = arith.addi %mul3A_54, %add3A_55 : i32
      %mul3A_57 = arith.constant 256 : i32
      %mul3A_58 = arith.muli %add3A_56, %mul3A_57 : i32
      %dma_start3A_59 = arith.constant 3 : i32
      %dma_start3A_60 = arith.constant 0 : i32
      %dma_start3A_61 = arith.constant 0 : i32
      %dma_start3A_62 = tpu.memref_slice %arg6[%dma_start3A_59, %dma_start3A_60, %dma_start3A_61] : memref<5x256x64xf32, #tpu.memory_space<vmem>> -> memref<1x256x64xf32, #tpu.memory_space<vmem>>
      %dma_start3A_63 = tpu.memref_squeeze %dma_start3A_62 : memref<1x256x64xf32, #tpu.memory_space<vmem>> -> memref<256x64xf32, #tpu.memory_space<vmem>>
      %dma_start3A_64 = tpu.memref_slice %arg5[%mul3A_58] : memref<25600xi32, #tpu.memory_space<vmem>> -> memref<256xi32, #tpu.memory_space<vmem>>
      %dma_start3A_65 = arith.constant 0 : i32
      %dma_start3A_66 = arith.constant 0 : i32
      %dma_start3A_67 = tpu.memref_slice %arg3[%dma_start3A_65, %dma_start3A_66] : memref<1000000x64xf32, #tpu.memory_space<hbm>> -> memref<1000000x64xf32, #tpu.memory_space<hbm>>
      tpu.enqueue_indirect_dma source(%dma_start3A_67 : memref<1000000x64xf32, #tpu.memory_space<hbm>>) target(%dma_start3A_63 : memref<256x64xf32, #tpu.memory_space<vmem>>) offsets(%dma_start3A_64 : memref<256xi32, #tpu.memory_space<vmem>>) semaphore(%arg7 : memref<!tpu.dma_semaphore, #tpu.memory_space<semaphore_mem>>)
      %mul3A_68 = arith.constant 5 : i32
      %mul3A_69 = arith.muli %scan3A_8, %mul3A_68 : i32
      %add3A_70 = arith.constant 4 : i32
      %add3A_71 = arith.addi %mul3A_69, %add3A_70 : i32
      %mul3A_72 = arith.constant 256 : i32
      %mul3A_73 = arith.muli %add3A_71, %mul3A_72 : i32
      %dma_start3A_74 = arith.constant 4 : i32
      %dma_start3A_75 = arith.constant 0 : i32
      %dma_start3A_76 = arith.constant 0 : i32
      %dma_start3A_77 = tpu.memref_slice %arg6[%dma_start3A_74, %dma_start3A_75, %dma_start3A_76] : memref<5x256x64xf32, #tpu.memory_space<vmem>> -> memref<1x256x64xf32, #tpu.memory_space<vmem>>
      %dma_start3A_78 = tpu.memref_squeeze %dma_start3A_77 : memref<1x256x64xf32, #tpu.memory_space<vmem>> -> memref<256x64xf32, #tpu.memory_space<vmem>>
      %dma_start3A_79 = tpu.memref_slice %arg5[%mul3A_73] : memref<25600xi32, #tpu.memory_space<vmem>> -> memref<256xi32, #tpu.memory_space<vmem>>
      %dma_start3A_80 = arith.constant 0 : i32
      %dma_start3A_81 = arith.constant 0 : i32
      %dma_start3A_82 = tpu.memref_slice %arg3[%dma_start3A_80, %dma_start3A_81] : memref<1000000x64xf32, #tpu.memory_space<hbm>> -> memref<1000000x64xf32, #tpu.memory_space<hbm>>
      tpu.enqueue_indirect_dma source(%dma_start3A_82 : memref<1000000x64xf32, #tpu.memory_space<hbm>>) target(%dma_start3A_78 : memref<256x64xf32, #tpu.memory_space<vmem>>) offsets(%dma_start3A_79 : memref<256xi32, #tpu.memory_space<vmem>>) semaphore(%arg7 : memref<!tpu.dma_semaphore, #tpu.memory_space<semaphore_mem>>)
      %mul3A_83 = arith.constant 5 : i32
      %mul3A_84 = arith.muli %scan3A_8, %mul3A_83 : i32
      %add3A_85 = arith.constant 0 : i32
      %add3A_86 = arith.addi %mul3A_84, %add3A_85 : i32
      %mul3A_87 = arith.constant 256 : i32
      %mul3A_88 = arith.muli %add3A_86, %mul3A_87 : i32
      %dma_wait3A = arith.constant 0 : i32
      %dma_wait3A_89 = arith.constant 0 : i32
      %dma_wait3A_90 = arith.constant 0 : i32
      %dma_wait3A_91 = tpu.memref_slice %arg6[%dma_wait3A, %dma_wait3A_89, %dma_wait3A_90] : memref<5x256x64xf32, #tpu.memory_space<vmem>> -> memref<1x256x64xf32, #tpu.memory_space<vmem>>
      %dma_wait3A_92 = tpu.memref_squeeze %dma_wait3A_91 : memref<1x256x64xf32, #tpu.memory_space<vmem>> -> memref<256x64xf32, #tpu.memory_space<vmem>>
      %dma_wait3A_93 = tpu.memref_slice %arg5[%mul3A_14] : memref<25600xi32, #tpu.memory_space<vmem>> -> memref<256xi32, #tpu.memory_space<vmem>>
      %dma_wait3A_94 = arith.constant 0 : i32
      %dma_wait3A_95 = arith.constant 0 : i32
      %dma_wait3A_96 = tpu.memref_slice %arg3[%dma_wait3A_94, %dma_wait3A_95] : memref<1000000x64xf32, #tpu.memory_space<hbm>> -> memref<1000000x64xf32, #tpu.memory_space<hbm>>
      tpu.wait_indirect_dma semaphore(%arg7 : memref<!tpu.dma_semaphore, #tpu.memory_space<semaphore_mem>>) src(%dma_wait3A_96 : memref<1000000x64xf32, #tpu.memory_space<hbm>>) dst(%dma_wait3A_92 : memref<256x64xf32, #tpu.memory_space<vmem>>)
      %add3A_97 = arith.addi %mul3A_2, %mul3A_88 : i32
      %dma_start3A_98 = arith.constant 0 : i32
      %dma_start3A_99 = arith.constant 0 : i32
      %dma_start3A_100 = arith.constant 0 : i32
      %dma_start3A_101 = tpu.memref_slice %arg6[%dma_start3A_98, %dma_start3A_99, %dma_start3A_100] : memref<5x256x64xf32, #tpu.memory_space<vmem>> -> memref<1x256x64xf32, #tpu.memory_space<vmem>>
      %dma_start3A_102 = tpu.memref_squeeze %dma_start3A_101 : memref<1x256x64xf32, #tpu.memory_space<vmem>> -> memref<256x64xf32, #tpu.memory_space<vmem>>
      %dma_start3A_103 = arith.constant 0 : i32
      %dma_start3A_104 = tpu.memref_slice %arg4[%add3A_97, %dma_start3A_103] : memref<819200x128xf32, #tpu.memory_space<hbm>> -> memref<256x64xf32, #tpu.memory_space<hbm>>
      %dma_start3A_105 = arith.constant 0 : i32
      %dma_start3A_106 = tpu.memref_slice %arg4[%add3A_97, %dma_start3A_105] : memref<819200x128xf32, #tpu.memory_space<hbm>> -> memref<256x64xf32, #tpu.memory_space<hbm>>
      %dma_start3A_107 = arith.constant 0 : i32
      %dma_start3A_108 = arith.constant 0 : i32
      %dma_start3A_109 = tpu.memref_slice %arg6[%dma_start3A_98, %dma_start3A_107, %dma_start3A_108] : memref<5x256x64xf32, #tpu.memory_space<vmem>> -> memref<1x256x64xf32, #tpu.memory_space<vmem>>
      %dma_start3A_110 = tpu.memref_squeeze %dma_start3A_109 : memref<1x256x64xf32, #tpu.memory_space<vmem>> -> memref<256x64xf32, #tpu.memory_space<vmem>>
      tpu.enqueue_dma source(%dma_start3A_110 : memref<256x64xf32, #tpu.memory_space<vmem>>) target(%dma_start3A_106 : memref<256x64xf32, #tpu.memory_space<hbm>>) target_semaphore(%arg8 : memref<!tpu.dma_semaphore, #tpu.memory_space<semaphore_mem>>)
      %mul3A_111 = arith.constant 5 : i32
      %mul3A_112 = arith.muli %scan3A_8, %mul3A_111 : i32
      %add3A_113 = arith.constant 1 : i32
      %add3A_114 = arith.addi %mul3A_112, %add3A_113 : i32
      %mul3A_115 = arith.constant 256 : i32
      %mul3A_116 = arith.muli %add3A_114, %mul3A_115 : i32
      %dma_wait3A_117 = arith.constant 1 : i32
      %dma_wait3A_118 = arith.constant 0 : i32
      %dma_wait3A_119 = arith.constant 0 : i32
      %dma_wait3A_120 = tpu.memref_slice %arg6[%dma_wait3A_117, %dma_wait3A_118, %dma_wait3A_119] : memref<5x256x64xf32, #tpu.memory_space<vmem>> -> memref<1x256x64xf32, #tpu.memory_space<vmem>>
      %dma_wait3A_121 = tpu.memref_squeeze %dma_wait3A_120 : memref<1x256x64xf32, #tpu.memory_space<vmem>> -> memref<256x64xf32, #tpu.memory_space<vmem>>
      %dma_wait3A_122 = tpu.memref_slice %arg5[%mul3A_28] : memref<25600xi32, #tpu.memory_space<vmem>> -> memref<256xi32, #tpu.memory_space<vmem>>
      %dma_wait3A_123 = arith.constant 0 : i32
      %dma_wait3A_124 = arith.constant 0 : i32
      %dma_wait3A_125 = tpu.memref_slice %arg3[%dma_wait3A_123, %dma_wait3A_124] : memref<1000000x64xf32, #tpu.memory_space<hbm>> -> memref<1000000x64xf32, #tpu.memory_space<hbm>>
      tpu.wait_indirect_dma semaphore(%arg7 : memref<!tpu.dma_semaphore, #tpu.memory_space<semaphore_mem>>) src(%dma_wait3A_125 : memref<1000000x64xf32, #tpu.memory_space<hbm>>) dst(%dma_wait3A_121 : memref<256x64xf32, #tpu.memory_space<vmem>>)
      %add3A_126 = arith.addi %mul3A_2, %mul3A_116 : i32
      %dma_start3A_127 = arith.constant 1 : i32
      %dma_start3A_128 = arith.constant 0 : i32
      %dma_start3A_129 = arith.constant 0 : i32
      %dma_start3A_130 = tpu.memref_slice %arg6[%dma_start3A_127, %dma_start3A_128, %dma_start3A_129] : memref<5x256x64xf32, #tpu.memory_space<vmem>> -> memref<1x256x64xf32, #tpu.memory_space<vmem>>
      %dma_start3A_131 = tpu.memref_squeeze %dma_start3A_130 : memref<1x256x64xf32, #tpu.memory_space<vmem>> -> memref<256x64xf32, #tpu.memory_space<vmem>>
      %dma_start3A_132 = arith.constant 0 : i32
      %dma_start3A_133 = tpu.memref_slice %arg4[%add3A_126, %dma_start3A_132] : memref<819200x128xf32, #tpu.memory_space<hbm>> -> memref<256x64xf32, #tpu.memory_space<hbm>>
      %dma_start3A_134 = arith.constant 0 : i32
      %dma_start3A_135 = tpu.memref_slice %arg4[%add3A_126, %dma_start3A_134] : memref<819200x128xf32, #tpu.memory_space<hbm>> -> memref<256x64xf32, #tpu.memory_space<hbm>>
      %dma_start3A_136 = arith.constant 0 : i32
      %dma_start3A_137 = arith.constant 0 : i32
      %dma_start3A_138 = tpu.memref_slice %arg6[%dma_start3A_127, %dma_start3A_136, %dma_start3A_137] : memref<5x256x64xf32, #tpu.memory_space<vmem>> -> memref<1x256x64xf32, #tpu.memory_space<vmem>>
      %dma_start3A_139 = tpu.memref_squeeze %dma_start3A_138 : memref<1x256x64xf32, #tpu.memory_space<vmem>> -> memref<256x64xf32, #tpu.memory_space<vmem>>
      tpu.enqueue_dma source(%dma_start3A_139 : memref<256x64xf32, #tpu.memory_space<vmem>>) target(%dma_start3A_135 : memref<256x64xf32, #tpu.memory_space<hbm>>) target_semaphore(%arg8 : memref<!tpu.dma_semaphore, #tpu.memory_space<semaphore_mem>>)
      %mul3A_140 = arith.constant 5 : i32
      %mul3A_141 = arith.muli %scan3A_8, %mul3A_140 : i32
      %add3A_142 = arith.constant 2 : i32
      %add3A_143 = arith.addi %mul3A_141, %add3A_142 : i32
      %mul3A_144 = arith.constant 256 : i32
      %mul3A_145 = arith.muli %add3A_143, %mul3A_144 : i32
      %dma_wait3A_146 = arith.constant 2 : i32
      %dma_wait3A_147 = arith.constant 0 : i32
      %dma_wait3A_148 = arith.constant 0 : i32
      %dma_wait3A_149 = tpu.memref_slice %arg6[%dma_wait3A_146, %dma_wait3A_147, %dma_wait3A_148] : memref<5x256x64xf32, #tpu.memory_space<vmem>> -> memref<1x256x64xf32, #tpu.memory_space<vmem>>
      %dma_wait3A_150 = tpu.memref_squeeze %dma_wait3A_149 : memref<1x256x64xf32, #tpu.memory_space<vmem>> -> memref<256x64xf32, #tpu.memory_space<vmem>>
      %dma_wait3A_151 = tpu.memref_slice %arg5[%mul3A_43] : memref<25600xi32, #tpu.memory_space<vmem>> -> memref<256xi32, #tpu.memory_space<vmem>>
      %dma_wait3A_152 = arith.constant 0 : i32
      %dma_wait3A_153 = arith.constant 0 : i32
      %dma_wait3A_154 = tpu.memref_slice %arg3[%dma_wait3A_152, %dma_wait3A_153] : memref<1000000x64xf32, #tpu.memory_space<hbm>> -> memref<1000000x64xf32, #tpu.memory_space<hbm>>
      tpu.wait_indirect_dma semaphore(%arg7 : memref<!tpu.dma_semaphore, #tpu.memory_space<semaphore_mem>>) src(%dma_wait3A_154 : memref<1000000x64xf32, #tpu.memory_space<hbm>>) dst(%dma_wait3A_150 : memref<256x64xf32, #tpu.memory_space<vmem>>)
      %add3A_155 = arith.addi %mul3A_2, %mul3A_145 : i32
      %dma_start3A_156 = arith.constant 2 : i32
      %dma_start3A_157 = arith.constant 0 : i32
      %dma_start3A_158 = arith.constant 0 : i32
      %dma_start3A_159 = tpu.memref_slice %arg6[%dma_start3A_156, %dma_start3A_157, %dma_start3A_158] : memref<5x256x64xf32, #tpu.memory_space<vmem>> -> memref<1x256x64xf32, #tpu.memory_space<vmem>>
      %dma_start3A_160 = tpu.memref_squeeze %dma_start3A_159 : memref<1x256x64xf32, #tpu.memory_space<vmem>> -> memref<256x64xf32, #tpu.memory_space<vmem>>
      %dma_start3A_161 = arith.constant 0 : i32
      %dma_start3A_162 = tpu.memref_slice %arg4[%add3A_155, %dma_start3A_161] : memref<819200x128xf32, #tpu.memory_space<hbm>> -> memref<256x64xf32, #tpu.memory_space<hbm>>
      %dma_start3A_163 = arith.constant 0 : i32
      %dma_start3A_164 = tpu.memref_slice %arg4[%add3A_155, %dma_start3A_163] : memref<819200x128xf32, #tpu.memory_space<hbm>> -> memref<256x64xf32, #tpu.memory_space<hbm>>
      %dma_start3A_165 = arith.constant 0 : i32
      %dma_start3A_166 = arith.constant 0 : i32
      %dma_start3A_167 = tpu.memref_slice %arg6[%dma_start3A_156, %dma_start3A_165, %dma_start3A_166] : memref<5x256x64xf32, #tpu.memory_space<vmem>> -> memref<1x256x64xf32, #tpu.memory_space<vmem>>
      %dma_start3A_168 = tpu.memref_squeeze %dma_start3A_167 : memref<1x256x64xf32, #tpu.memory_space<vmem>> -> memref<256x64xf32, #tpu.memory_space<vmem>>
      tpu.enqueue_dma source(%dma_start3A_168 : memref<256x64xf32, #tpu.memory_space<vmem>>) target(%dma_start3A_164 : memref<256x64xf32, #tpu.memory_space<hbm>>) target_semaphore(%arg8 : memref<!tpu.dma_semaphore, #tpu.memory_space<semaphore_mem>>)
      %mul3A_169 = arith.constant 5 : i32
      %mul3A_170 = arith.muli %scan3A_8, %mul3A_169 : i32
      %add3A_171 = arith.constant 3 : i32
      %add3A_172 = arith.addi %mul3A_170, %add3A_171 : i32
      %mul3A_173 = arith.constant 256 : i32
      %mul3A_174 = arith.muli %add3A_172, %mul3A_173 : i32
      %dma_wait3A_175 = arith.constant 3 : i32
      %dma_wait3A_176 = arith.constant 0 : i32
      %dma_wait3A_177 = arith.constant 0 : i32
      %dma_wait3A_178 = tpu.memref_slice %arg6[%dma_wait3A_175, %dma_wait3A_176, %dma_wait3A_177] : memref<5x256x64xf32, #tpu.memory_space<vmem>> -> memref<1x256x64xf32, #tpu.memory_space<vmem>>
      %dma_wait3A_179 = tpu.memref_squeeze %dma_wait3A_178 : memref<1x256x64xf32, #tpu.memory_space<vmem>> -> memref<256x64xf32, #tpu.memory_space<vmem>>
      %dma_wait3A_180 = tpu.memref_slice %arg5[%mul3A_58] : memref<25600xi32, #tpu.memory_space<vmem>> -> memref<256xi32, #tpu.memory_space<vmem>>
      %dma_wait3A_181 = arith.constant 0 : i32
      %dma_wait3A_182 = arith.constant 0 : i32
      %dma_wait3A_183 = tpu.memref_slice %arg3[%dma_wait3A_181, %dma_wait3A_182] : memref<1000000x64xf32, #tpu.memory_space<hbm>> -> memref<1000000x64xf32, #tpu.memory_space<hbm>>
      tpu.wait_indirect_dma semaphore(%arg7 : memref<!tpu.dma_semaphore, #tpu.memory_space<semaphore_mem>>) src(%dma_wait3A_183 : memref<1000000x64xf32, #tpu.memory_space<hbm>>) dst(%dma_wait3A_179 : memref<256x64xf32, #tpu.memory_space<vmem>>)
      %add3A_184 = arith.addi %mul3A_2, %mul3A_174 : i32
      %dma_start3A_185 = arith.constant 3 : i32
      %dma_start3A_186 = arith.constant 0 : i32
      %dma_start3A_187 = arith.constant 0 : i32
      %dma_start3A_188 = tpu.memref_slice %arg6[%dma_start3A_185, %dma_start3A_186, %dma_start3A_187] : memref<5x256x64xf32, #tpu.memory_space<vmem>> -> memref<1x256x64xf32, #tpu.memory_space<vmem>>
      %dma_start3A_189 = tpu.memref_squeeze %dma_start3A_188 : memref<1x256x64xf32, #tpu.memory_space<vmem>> -> memref<256x64xf32, #tpu.memory_space<vmem>>
      %dma_start3A_190 = arith.constant 0 : i32
      %dma_start3A_191 = tpu.memref_slice %arg4[%add3A_184, %dma_start3A_190] : memref<819200x128xf32, #tpu.memory_space<hbm>> -> memref<256x64xf32, #tpu.memory_space<hbm>>
      %dma_start3A_192 = arith.constant 0 : i32
      %dma_start3A_193 = tpu.memref_slice %arg4[%add3A_184, %dma_start3A_192] : memref<819200x128xf32, #tpu.memory_space<hbm>> -> memref<256x64xf32, #tpu.memory_space<hbm>>
      %dma_start3A_194 = arith.constant 0 : i32
      %dma_start3A_195 = arith.constant 0 : i32
      %dma_start3A_196 = tpu.memref_slice %arg6[%dma_start3A_185, %dma_start3A_194, %dma_start3A_195] : memref<5x256x64xf32, #tpu.memory_space<vmem>> -> memref<1x256x64xf32, #tpu.memory_space<vmem>>
      %dma_start3A_197 = tpu.memref_squeeze %dma_start3A_196 : memref<1x256x64xf32, #tpu.memory_space<vmem>> -> memref<256x64xf32, #tpu.memory_space<vmem>>
      tpu.enqueue_dma source(%dma_start3A_197 : memref<256x64xf32, #tpu.memory_space<vmem>>) target(%dma_start3A_193 : memref<256x64xf32, #tpu.memory_space<hbm>>) target_semaphore(%arg8 : memref<!tpu.dma_semaphore, #tpu.memory_space<semaphore_mem>>)
      %mul3A_198 = arith.constant 5 : i32
      %mul3A_199 = arith.muli %scan3A_8, %mul3A_198 : i32
      %add3A_200 = arith.constant 4 : i32
      %add3A_201 = arith.addi %mul3A_199, %add3A_200 : i32
      %mul3A_202 = arith.constant 256 : i32
      %mul3A_203 = arith.muli %add3A_201, %mul3A_202 : i32
      %dma_wait3A_204 = arith.constant 4 : i32
      %dma_wait3A_205 = arith.constant 0 : i32
      %dma_wait3A_206 = arith.constant 0 : i32
      %dma_wait3A_207 = tpu.memref_slice %arg6[%dma_wait3A_204, %dma_wait3A_205, %dma_wait3A_206] : memref<5x256x64xf32, #tpu.memory_space<vmem>> -> memref<1x256x64xf32, #tpu.memory_space<vmem>>
      %dma_wait3A_208 = tpu.memref_squeeze %dma_wait3A_207 : memref<1x256x64xf32, #tpu.memory_space<vmem>> -> memref<256x64xf32, #tpu.memory_space<vmem>>
      %dma_wait3A_209 = tpu.memref_slice %arg5[%mul3A_73] : memref<25600xi32, #tpu.memory_space<vmem>> -> memref<256xi32, #tpu.memory_space<vmem>>
      %dma_wait3A_210 = arith.constant 0 : i32
      %dma_wait3A_211 = arith.constant 0 : i32
      %dma_wait3A_212 = tpu.memref_slice %arg3[%dma_wait3A_210, %dma_wait3A_211] : memref<1000000x64xf32, #tpu.memory_space<hbm>> -> memref<1000000x64xf32, #tpu.memory_space<hbm>>
      tpu.wait_indirect_dma semaphore(%arg7 : memref<!tpu.dma_semaphore, #tpu.memory_space<semaphore_mem>>) src(%dma_wait3A_212 : memref<1000000x64xf32, #tpu.memory_space<hbm>>) dst(%dma_wait3A_208 : memref<256x64xf32, #tpu.memory_space<vmem>>)
      %add3A_213 = arith.addi %mul3A_2, %mul3A_203 : i32
      %dma_start3A_214 = arith.constant 4 : i32
      %dma_start3A_215 = arith.constant 0 : i32
      %dma_start3A_216 = arith.constant 0 : i32
      %dma_start3A_217 = tpu.memref_slice %arg6[%dma_start3A_214, %dma_start3A_215, %dma_start3A_216] : memref<5x256x64xf32, #tpu.memory_space<vmem>> -> memref<1x256x64xf32, #tpu.memory_space<vmem>>
      %dma_start3A_218 = tpu.memref_squeeze %dma_start3A_217 : memref<1x256x64xf32, #tpu.memory_space<vmem>> -> memref<256x64xf32, #tpu.memory_space<vmem>>
      %dma_start3A_219 = arith.constant 0 : i32
      %dma_start3A_220 = tpu.memref_slice %arg4[%add3A_213, %dma_start3A_219] : memref<819200x128xf32, #tpu.memory_space<hbm>> -> memref<256x64xf32, #tpu.memory_space<hbm>>
      %dma_start3A_221 = arith.constant 0 : i32
      %dma_start3A_222 = tpu.memref_slice %arg4[%add3A_213, %dma_start3A_221] : memref<819200x128xf32, #tpu.memory_space<hbm>> -> memref<256x64xf32, #tpu.memory_space<hbm>>
      %dma_start3A_223 = arith.constant 0 : i32
      %dma_start3A_224 = arith.constant 0 : i32
      %dma_start3A_225 = tpu.memref_slice %arg6[%dma_start3A_214, %dma_start3A_223, %dma_start3A_224] : memref<5x256x64xf32, #tpu.memory_space<vmem>> -> memref<1x256x64xf32, #tpu.memory_space<vmem>>
      %dma_start3A_226 = tpu.memref_squeeze %dma_start3A_225 : memref<1x256x64xf32, #tpu.memory_space<vmem>> -> memref<256x64xf32, #tpu.memory_space<vmem>>
      tpu.enqueue_dma source(%dma_start3A_226 : memref<256x64xf32, #tpu.memory_space<vmem>>) target(%dma_start3A_222 : memref<256x64xf32, #tpu.memory_space<hbm>>) target_semaphore(%arg8 : memref<!tpu.dma_semaphore, #tpu.memory_space<semaphore_mem>>)
      %dma_wait3A_227 = arith.constant 0 : i32
      %dma_wait3A_228 = arith.constant 0 : i32
      %dma_wait3A_229 = arith.constant 0 : i32
      %dma_wait3A_230 = tpu.memref_slice %arg6[%dma_wait3A_227, %dma_wait3A_228, %dma_wait3A_229] : memref<5x256x64xf32, #tpu.memory_space<vmem>> -> memref<1x256x64xf32, #tpu.memory_space<vmem>>
      %dma_wait3A_231 = tpu.memref_squeeze %dma_wait3A_230 : memref<1x256x64xf32, #tpu.memory_space<vmem>> -> memref<256x64xf32, #tpu.memory_space<vmem>>
      %dma_wait3A_232 = arith.constant 0 : i32
      %dma_wait3A_233 = tpu.memref_slice %arg4[%add3A_97, %dma_wait3A_232] : memref<819200x128xf32, #tpu.memory_space<hbm>> -> memref<256x64xf32, #tpu.memory_space<hbm>>
      %dma_wait3A_234 = arith.constant 0 : i32
      %dma_wait3A_235 = tpu.memref_slice %arg4[%add3A_97, %dma_wait3A_234] : memref<819200x128xf32, #tpu.memory_space<hbm>> -> memref<256x64xf32, #tpu.memory_space<hbm>>
      %dma_wait3A_236 = arith.constant 0 : i32
      %dma_wait3A_237 = arith.constant 0 : i32
      %dma_wait3A_238 = tpu.memref_slice %arg6[%dma_wait3A_227, %dma_wait3A_236, %dma_wait3A_237] : memref<5x256x64xf32, #tpu.memory_space<vmem>> -> memref<1x256x64xf32, #tpu.memory_space<vmem>>
      %dma_wait3A_239 = tpu.memref_squeeze %dma_wait3A_238 : memref<1x256x64xf32, #tpu.memory_space<vmem>> -> memref<256x64xf32, #tpu.memory_space<vmem>>
      tpu.wait_dma2 semaphore(%arg8 : memref<!tpu.dma_semaphore, #tpu.memory_space<semaphore_mem>>) src(%dma_wait3A_239 : memref<256x64xf32, #tpu.memory_space<vmem>>) dst(%dma_wait3A_235 : memref<256x64xf32, #tpu.memory_space<hbm>>)
      %dma_wait3A_240 = arith.constant 1 : i32
      %dma_wait3A_241 = arith.constant 0 : i32
      %dma_wait3A_242 = arith.constant 0 : i32
      %dma_wait3A_243 = tpu.memref_slice %arg6[%dma_wait3A_240, %dma_wait3A_241, %dma_wait3A_242] : memref<5x256x64xf32, #tpu.memory_space<vmem>> -> memref<1x256x64xf32, #tpu.memory_space<vmem>>
      %dma_wait3A_244 = tpu.memref_squeeze %dma_wait3A_243 : memref<1x256x64xf32, #tpu.memory_space<vmem>> -> memref<256x64xf32, #tpu.memory_space<vmem>>
      %dma_wait3A_245 = arith.constant 0 : i32
      %dma_wait3A_246 = tpu.memref_slice %arg4[%add3A_126, %dma_wait3A_245] : memref<819200x128xf32, #tpu.memory_space<hbm>> -> memref<256x64xf32, #tpu.memory_space<hbm>>
      %dma_wait3A_247 = arith.constant 0 : i32
      %dma_wait3A_248 = tpu.memref_slice %arg4[%add3A_126, %dma_wait3A_247] : memref<819200x128xf32, #tpu.memory_space<hbm>> -> memref<256x64xf32, #tpu.memory_space<hbm>>
      %dma_wait3A_249 = arith.constant 0 : i32
      %dma_wait3A_250 = arith.constant 0 : i32
      %dma_wait3A_251 = tpu.memref_slice %arg6[%dma_wait3A_240, %dma_wait3A_249, %dma_wait3A_250] : memref<5x256x64xf32, #tpu.memory_space<vmem>> -> memref<1x256x64xf32, #tpu.memory_space<vmem>>
      %dma_wait3A_252 = tpu.memref_squeeze %dma_wait3A_251 : memref<1x256x64xf32, #tpu.memory_space<vmem>> -> memref<256x64xf32, #tpu.memory_space<vmem>>
      tpu.wait_dma2 semaphore(%arg8 : memref<!tpu.dma_semaphore, #tpu.memory_space<semaphore_mem>>) src(%dma_wait3A_252 : memref<256x64xf32, #tpu.memory_space<vmem>>) dst(%dma_wait3A_248 : memref<256x64xf32, #tpu.memory_space<hbm>>)
      %dma_wait3A_253 = arith.constant 2 : i32
      %dma_wait3A_254 = arith.constant 0 : i32
      %dma_wait3A_255 = arith.constant 0 : i32
      %dma_wait3A_256 = tpu.memref_slice %arg6[%dma_wait3A_253, %dma_wait3A_254, %dma_wait3A_255] : memref<5x256x64xf32, #tpu.memory_space<vmem>> -> memref<1x256x64xf32, #tpu.memory_space<vmem>>
      %dma_wait3A_257 = tpu.memref_squeeze %dma_wait3A_256 : memref<1x256x64xf32, #tpu.memory_space<vmem>> -> memref<256x64xf32, #tpu.memory_space<vmem>>
      %dma_wait3A_258 = arith.constant 0 : i32
      %dma_wait3A_259 = tpu.memref_slice %arg4[%add3A_155, %dma_wait3A_258] : memref<819200x128xf32, #tpu.memory_space<hbm>> -> memref<256x64xf32, #tpu.memory_space<hbm>>
      %dma_wait3A_260 = arith.constant 0 : i32
      %dma_wait3A_261 = tpu.memref_slice %arg4[%add3A_155, %dma_wait3A_260] : memref<819200x128xf32, #tpu.memory_space<hbm>> -> memref<256x64xf32, #tpu.memory_space<hbm>>
      %dma_wait3A_262 = arith.constant 0 : i32
      %dma_wait3A_263 = arith.constant 0 : i32
      %dma_wait3A_264 = tpu.memref_slice %arg6[%dma_wait3A_253, %dma_wait3A_262, %dma_wait3A_263] : memref<5x256x64xf32, #tpu.memory_space<vmem>> -> memref<1x256x64xf32, #tpu.memory_space<vmem>>
      %dma_wait3A_265 = tpu.memref_squeeze %dma_wait3A_264 : memref<1x256x64xf32, #tpu.memory_space<vmem>> -> memref<256x64xf32, #tpu.memory_space<vmem>>
      tpu.wait_dma2 semaphore(%arg8 : memref<!tpu.dma_semaphore, #tpu.memory_space<semaphore_mem>>) src(%dma_wait3A_265 : memref<256x64xf32, #tpu.memory_space<vmem>>) dst(%dma_wait3A_261 : memref<256x64xf32, #tpu.memory_space<hbm>>)
      %dma_wait3A_266 = arith.constant 3 : i32
      %dma_wait3A_267 = arith.constant 0 : i32
      %dma_wait3A_268 = arith.constant 0 : i32
      %dma_wait3A_269 = tpu.memref_slice %arg6[%dma_wait3A_266, %dma_wait3A_267, %dma_wait3A_268] : memref<5x256x64xf32, #tpu.memory_space<vmem>> -> memref<1x256x64xf32, #tpu.memory_space<vmem>>
      %dma_wait3A_270 = tpu.memref_squeeze %dma_wait3A_269 : memref<1x256x64xf32, #tpu.memory_space<vmem>> -> memref<256x64xf32, #tpu.memory_space<vmem>>
      %dma_wait3A_271 = arith.constant 0 : i32
      %dma_wait3A_272 = tpu.memref_slice %arg4[%add3A_184, %dma_wait3A_271] : memref<819200x128xf32, #tpu.memory_space<hbm>> -> memref<256x64xf32, #tpu.memory_space<hbm>>
      %dma_wait3A_273 = arith.constant 0 : i32
      %dma_wait3A_274 = tpu.memref_slice %arg4[%add3A_184, %dma_wait3A_273] : memref<819200x128xf32, #tpu.memory_space<hbm>> -> memref<256x64xf32, #tpu.memory_space<hbm>>
      %dma_wait3A_275 = arith.constant 0 : i32
      %dma_wait3A_276 = arith.constant 0 : i32
      %dma_wait3A_277 = tpu.memref_slice %arg6[%dma_wait3A_266, %dma_wait3A_275, %dma_wait3A_276] : memref<5x256x64xf32, #tpu.memory_space<vmem>> -> memref<1x256x64xf32, #tpu.memory_space<vmem>>
      %dma_wait3A_278 = tpu.memref_squeeze %dma_wait3A_277 : memref<1x256x64xf32, #tpu.memory_space<vmem>> -> memref<256x64xf32, #tpu.memory_space<vmem>>
      tpu.wait_dma2 semaphore(%arg8 : memref<!tpu.dma_semaphore, #tpu.memory_space<semaphore_mem>>) src(%dma_wait3A_278 : memref<256x64xf32, #tpu.memory_space<vmem>>) dst(%dma_wait3A_274 : memref<256x64xf32, #tpu.memory_space<hbm>>)
      %dma_wait3A_279 = arith.constant 4 : i32
      %dma_wait3A_280 = arith.constant 0 : i32
      %dma_wait3A_281 = arith.constant 0 : i32
      %dma_wait3A_282 = tpu.memref_slice %arg6[%dma_wait3A_279, %dma_wait3A_280, %dma_wait3A_281] : memref<5x256x64xf32, #tpu.memory_space<vmem>> -> memref<1x256x64xf32, #tpu.memory_space<vmem>>
      %dma_wait3A_283 = tpu.memref_squeeze %dma_wait3A_282 : memref<1x256x64xf32, #tpu.memory_space<vmem>> -> memref<256x64xf32, #tpu.memory_space<vmem>>
      %dma_wait3A_284 = arith.constant 0 : i32
      %dma_wait3A_285 = tpu.memref_slice %arg4[%add3A_213, %dma_wait3A_284] : memref<819200x128xf32, #tpu.memory_space<hbm>> -> memref<256x64xf32, #tpu.memory_space<hbm>>
      %dma_wait3A_286 = arith.constant 0 : i32
      %dma_wait3A_287 = tpu.memref_slice %arg4[%add3A_213, %dma_wait3A_286] : memref<819200x128xf32, #tpu.memory_space<hbm>> -> memref<256x64xf32, #tpu.memory_space<hbm>>
      %dma_wait3A_288 = arith.constant 0 : i32
      %dma_wait3A_289 = arith.constant 0 : i32
      %dma_wait3A_290 = tpu.memref_slice %arg6[%dma_wait3A_279, %dma_wait3A_288, %dma_wait3A_289] : memref<5x256x64xf32, #tpu.memory_space<vmem>> -> memref<1x256x64xf32, #tpu.memory_space<vmem>>
      %dma_wait3A_291 = tpu.memref_squeeze %dma_wait3A_290 : memref<1x256x64xf32, #tpu.memory_space<vmem>> -> memref<256x64xf32, #tpu.memory_space<vmem>>
      tpu.wait_dma2 semaphore(%arg8 : memref<!tpu.dma_semaphore, #tpu.memory_space<semaphore_mem>>) src(%dma_wait3A_291 : memref<256x64xf32, #tpu.memory_space<vmem>>) dst(%dma_wait3A_287 : memref<256x64xf32, #tpu.memory_space<hbm>>)
    }
    %scan3A_7 = arith.constant 20 : i32
    return
  }
}

</mosaic_0001>

<sc_bundles>
// kernel: kernel.3.cloned.1.call-start
scs
__scs_entry_jumppad:
0x0: {  	(pc) =	sbr.rel $0x88, $3  }
0x1: {  	(tag) =	ssettag $0x0;
	lr =	simm.s32 $0x1  }
0x2: {  	[smem:$0x3F9F] =	sst lr;
	_ =	strace $0xD0000000  }
0x3: {  	_ = 	snop  }
0x4: {  	_ = 	snop  }
0x5: {  	_ = 	snop  }
0x6: {  	_ = 	snop  }
0x7: {  	_ = 	snop  }
__scs_overlays_trampoline_lowered:
0x8: {  	[smem:$0x3FAE] =	sst s0  }
0x9: {  	[smem:$0x3FAF] =	sst s1  }
0xa: {  	[smem:$0x3FB0] =	sst s2  }
0xb: {  	[smem:$0x3FB1] =	sst s3  }
0xc: {  	[smem:$0x3FB2] =	sst s4  }
0xd: {  	[smem:$0x3FB3] =	sst s5  }
0xe: {  	[smem:$0x3FB4] =	sst s6  }
0xf: {  	[smem:$0x3FB5] =	sst s7  }
0x10: {  	[smem:$0x3FB6] =	sst s8  }
0x11: {  	[smem:$0x3FB7] =	sst s9;
	s0 =	simm.s32 @!p0 $0x0  }
0x12: {  	s1 =	sld [smem:$0x3F9D];
	s0 =	simm.s32 @p0 $0x1  }
0x13: {  	[smem:$0x3FB8] =	sst s0;
	s0 =	simm.s32 @!p1 $0x0  }
0x14: {  	s2 =	sld [smem:$0x3F9C];
	s0 =	simm.s32 @p1 $0x1  }
0x15: {  	[smem:$0x3FB9] =	sst s0;
	s0 =	simm.s32 @!p2 $0x0  }
0x16: {  	s3 =	sld [smem:$0x3FDB];
	s0 =	simm.s32 @p2 $0x1  }
0x17: {  	s4 =	simm.s32 $0x1BF5;
	[smem:$0x3FBB] =	sst s0  }
0x18: {  	s0 =	sld [smem:$0x3F9E];
	_ =	swait.ge [sflag:s4], $0x0  }
0x19: {  	s7 =	sld [smem:$0x3F9F]  }
0x1a: {  	s8 =	sadd.s32 $0xFFFFE003, lr  }
0x1b: {  	s9 =	sadd.s32 $0xFFFFFEF7, lr;
	s5 =	simm.s32 $0xFFFFFFFF;
	p2 =	slt.u32 s8, $0xFFFFF086  }
0x1c: {  	p1 =	slt.u32 s9, $0xF7A;
	s5 =	simm.s32 @!p2 $0x0  }
0x1d: {  	s5 =	simm.s32 @p1 $0x1;
	p0 =	seq.s32 s7, s2  }
0x1e: {  	s7 =	smul.u32 @!p0 $0xF7A, s2;
	p2 =	seq.s32 @!p0 s5, $0x0  }
0x1f: {  	s9 =	smul.u32 $0xF7A, s1;
	s8 =	simm.s32 @!p0 $0x1BF5;
	p2 =	por !p2, p0  }
0x20: {  	[sflag:s8] =	ssyncset.s32 @!p0 $0xFFFFF086;
	s6 =	sadd.s32 @!p0 s3, s7;
	s7 =	simm.s32 @!p0 $0x108  }
0x21: {  	s3 =	sadd.s32 s3, s9;
	s6 =	sadd.s32 @!p0 $0x88, s6;
	s7 =	simm.s32 @p2 $0x1082  }
0x22: {  	[simem:s7], [sflag:s8] =	dma.local @!p0 [hbm:s6], $0xF7A  }
0x23: {  	s9 =	sor.u32 $0xD0000000, s2;
	s6 =	simm.s32 $0x108;
	_ =	swait.ge @!p0 [sflag:s8], $0x0  }
0x24: {  	s3 =	sadd.s32 $0x88, s3;
	s6 =	simm.s32 @!p1 $0x1082;
	[sflag:s4] =	ssyncset.s32 $0xFFFFF086  }
0x25: {  	[simem:s6], [sflag:s4] =	dma.local [hbm:s3], $0xF7A  }
0x26: {  	[smem:$0x3F9F] =	sst s1;
	(tag) =	ssettag s2;
	_ =	strace s9  }
0x27: {  	s1 =	sld [smem:$0x3FAF]  }
0x28: {  	s2 =	sld [smem:$0x3FB0]  }
0x29: {  	s4 =	sld [smem:$0x3FB2]  }
0x2a: {  	p0 =	seq.s32 s5, $0x0;
	s5 =	sld [smem:$0x3FB3]  }
0x2b: {  	s6 =	sld [smem:$0x3FB4]  }
0x2c: {  	s7 =	sld [smem:$0x3FB5]  }
0x2d: {  	s3 =	simm.s32 $0x108;
	s8 =	sld [smem:$0x3FB6]  }
0x2e: {  	s3 =	simm.s32 @!p0 $0x1082;
	s9 =	sld [smem:$0x3FB7]  }
0x2f: {  	lr =	sadd.s32 s0, s3;
	s0 =	sld [smem:$0x3FAE]  }
0x30: {  	s3 =	sld [smem:$0x3FB1]  }
0x31: {  	[smem:$0x3FBA] =	sst s10  }
0x32: {  	s10 =	sld [smem:$0x3FB8];
	_ =	sdelay $0x3  }
0x33: {  	p0 =	seq.s32 s10, $0x1;
	s10 =	sld [smem:$0x3FBA];
	_ =	sdelay $0x3  }
0x34: {  	[smem:$0x3FBA] =	sst s10  }
0x35: {  	s10 =	sld [smem:$0x3FB9];
	_ =	sdelay $0x3  }
0x36: {  	p1 =	seq.s32 s10, $0x1;
	s10 =	sld [smem:$0x3FBA];
	_ =	sdelay $0x3  }
0x37: {  	[smem:$0x3FBA] =	sst s10  }
0x38: {  	s10 =	sld [smem:$0x3FBB]  }
0x39: {  	_ = 	snop;
	(pc) =	sbr.ind lr, $3  }
0x3a: {  	_ = 	snop  }
0x3b: {  	_ = 	snop  }
0x3c: {  	p2 =	seq.s32 s10, $0x1;
	s10 =	sld [smem:$0x3FBA]  }
0x3d: {  	_ =	shalt  }
0x3e: {  	_ =	shalt  }
0x3f: {  	_ =	shalt  }
0x40: {  	_ =	shalt  }
0x41: {  	_ =	shalt  }
0x42: {  	_ =	shalt  }
0x43: {  	_ =	shalt  }
0x44: {  	_ =	shalt  }
0x45: {  	_ =	shalt  }
0x46: {  	_ =	shalt  }
0x47: {  	_ =	shalt  }
0x48: {  	_ =	shalt  }
0x49: {  	_ =	shalt  }
0x4a: {  	_ =	shalt  }
0x4b: {  	_ =	shalt  }
0x4c: {  	_ =	shalt  }
0x4d: {  	_ =	shalt  }
0x4e: {  	_ =	shalt  }
0x4f: {  	_ =	shalt  }
0x50: {  	_ =	shalt  }
0x51: {  	_ =	shalt  }
0x52: {  	_ =	shalt  }
0x53: {  	_ =	shalt  }
0x54: {  	_ =	shalt  }
0x55: {  	_ =	shalt  }
0x56: {  	_ =	shalt  }
0x57: {  	_ =	shalt  }
0x58: {  	_ =	shalt  }
0x59: {  	_ =	shalt  }
0x5a: {  	_ =	shalt  }
0x5b: {  	_ =	shalt  }
0x5c: {  	_ =	shalt  }
0x5d: {  	_ =	shalt  }
0x5e: {  	_ =	shalt  }
0x5f: {  	_ =	shalt  }
0x60: {  	_ =	shalt  }
0x61: {  	_ =	shalt  }
0x62: {  	_ =	shalt  }
0x63: {  	_ =	shalt  }
0x64: {  	_ =	shalt  }
0x65: {  	_ =	shalt  }
0x66: {  	_ =	shalt  }
0x67: {  	_ =	shalt  }
0x68: {  	_ =	shalt  }
0x69: {  	_ =	shalt  }
0x6a: {  	_ =	shalt  }
0x6b: {  	_ =	shalt  }
0x6c: {  	_ =	shalt  }
0x6d: {  	_ =	shalt  }
0x6e: {  	_ =	shalt  }
0x6f: {  	_ =	shalt  }
0x70: {  	_ =	shalt  }
0x71: {  	_ =	shalt  }
0x72: {  	_ =	shalt  }
0x73: {  	_ =	shalt  }
0x74: {  	_ =	shalt  }
0x75: {  	_ =	shalt  }
0x76: {  	_ =	shalt  }
0x77: {  	_ =	shalt  }
0x78: {  	_ =	shalt  }
0x79: {  	_ =	shalt  }
0x7a: {  	_ =	shalt  }
0x7b: {  	_ =	shalt  }
0x7c: {  	_ =	shalt  }
0x7d: {  	_ =	shalt  }
0x7e: {  	_ =	shalt  }
0x7f: {  	_ =	shalt  }
0x80: {  	_ =	shalt  }
0x81: {  	_ =	shalt  }
0x82: {  	_ =	shalt  }
0x83: {  	_ =	shalt  }
0x84: {  	_ =	shalt  }
0x85: {  	_ =	shalt  }
0x86: {  	_ =	shalt  }
0x87: {  	_ =	shalt  }
.Lfunc_end0:
.L_simem_size_0:
called_computation.1_lowered:
.L_overlay_start_0:
0x88: {  	s2 =	sld [smem:$0x3FD9]  }
0x89: {  	s3 =	sld [smem:$0x3FFE];
	_ =	sdelay $0x1  }
0x8a: {  	s1 =	srdreg.scid  }
0x8b: {  	s0 =	sand.u32 $0x1, s1  }
0x8c: {  	s17 =	sshll.u32 s0, $0xA;
	s2 =	sadd.s32 s3, s2  }
0x8d: {  	s2 =	sadd.s32 s2, s17  }
0x8e: {  	[smem:$0x3FC6] =	sst s2  }
0x8f: {  	_ = 	snop  }
0x90: {  	s2 =	sld [smem:$0x3FD0];
	(tm) =	ssettm $0x1  }
0x91: {  	s18 =	sld [smem:$0x3FFB];
	_ =	sdelay $0x3  }
0x92: {  	_ =	strace s18  }
0x93: {  	s3 =	sld [smem:$0x3FFC];
	_ =	sdelay $0x3  }
0x94: {  	_ =	strace s3  }
0x95: {  	s3 =	sld [smem:$0x3FFD];
	_ =	sdelay $0x3  }
0x96: {  	_ =	strace s3  }
0x97: {  	_ =	strace $0x8FFFFFFF  }
0x98: {  	s19 =	sld [smem:$0x3FDB];
	_ =	sdelay $0x1  }
0x99: {  	s4 =	simm.s32 $_scs_section_size  }
0x9a: {  	s5 =	simm.s32 $_size__tile_overlayer_lowered;
	s6 =	simm.s32 $_tile_overlayer_lowered  }
0x9b: {  	s22 =	simm.s32 $0x1BFF;
	s21 =	sshll.u32 s6, $0x1;
	s3 =	sadd.s32 s4, s19  }
0x9c: {  	s7 =	simm.s32 $0x0;
	s20 =	sshll.u32 s5, $0x1;
	s5 =	sadd.s32 s21, s3  }
0x9d: {  	[timem:s7], [sflag:s22] =	dma.local [hbm:s5], s20  }
0x9e: {  	_ =	swait.ge [sflag:s22], s20  }
0x9f: {  	s4 =	ssub.s32 $0x0, s20;
	[sflag:s22] =	ssyncset.done $0x0  }
0xa0: {  	[sflag:s22] =	ssyncadd.s32 s4;
	_ =	sdelay $0x1  }
0xa1: {  	s23 =	simm.s32 $0x1B8B  }
0xa2: {  	_ =	swait.ge [sflag:s23], $0x1  }
0xa3: {  	[sflag:s23] =	ssyncset.done $0x0  }
0xa4: {  	s25 =	simm.s32 $0x1B8E;
	s24 =	sld [smem:$0x3FFE];
	[sflag:s23] =	ssyncadd.s32 $0xFFFFFFFF  }
0xa5: {  	s26 =	simm.s32 $execute0_lowered;
	[smem:$0x3FD2] =	sst s25  }
0xa6: {  	s5 =	sshll.u32 s26, $0x1;
	_ =	strace $0x80000046;
	[dreg:$0x1] =	wrdreg $0xFFFFFFFF  }
0xa7: {  	s28 =	simm.s32 $_size_execute0_lowered;
	s3 =	sadd.s32 s3, s5;
	[dreg:$0x0] =	wrdreg $0x0  }
0xa8: {  	s5 =	sshll.u32 s28, $0x1;
	[dreg:$0x2] =	wrdreg s3  }
0xa9: {  	[dreg:$0x3] =	wrdreg s5  }
0xaa: {  	[dreg:$0x4] =	wrdreg $0xC0  }
0xab: {  	_ =	task [dreg:s7], $0x5FFFF  }
0xac: {  	[dreg:$0x1] =	wrdreg $0xFFFFFFFF  }
0xad: {  	[dreg:$0x0] =	wrdreg $0x60  }
0xae: {  	[dreg:$0x2] =	wrdreg s2  }
0xaf: {  	[dreg:$0x3] =	wrdreg s24  }
0xb0: {  	[dreg:$0x4] =	wrdreg $0x9  }
0xb1: {  	_ =	task.clear_ibuf [dreg:s7], $0x5FFFF;
	_ =	strace $0x90000046  }
0xb2: {  	s29 =	simm.s32 $0x9;
	_ =	strace $0x80000048  }
0xb3: {  	_ =	swait.ge [sflag:s29], $0x1  }
0xb4: {  	[sflag:s29] =	ssyncadd.s32 $0xFFFFFFFF  }
0xb5: {  	_ =	strace $0x90000048  }
0xb6: {  	_ =	sfence  }
0xb7: {  	s30 =	sld [smem:$0x0];
	_ =	sdelay $0x2  }
0xb8: {  	s31 =	sshll.u32 s1, $0xD;
	s1 =	sshrl.u32 s1, $0x2  }
0xb9: {  	s3 =	sand.u32 $0x4000, s31;
	s1 =	sadd.s32 s1, s30  }
0xba: {  	s0 =	sor.u32 s3, s0;
	s1 =	sshll.u32 s1, $0x11  }
0xbb: {  	s0 =	sor.u32 s1, s0  }
0xbc: {  	s0 =	sadd.s32 $0x8F2B, s0  }
0xbd: {  	[sflag:s0] =	ssyncadd.remote.s32 $0x1  }
0xbe: {  	_ =	sfence.sel $0xFFFF  }
0xbf: {  	[dreg:$0x0] =	wrdreg $0xFFFFFFFF;
	(pc) =	sbr.abs _section_cstart, $3  }
0xc0: {  	[dreg:$0x1] =	wrdreg $0xFFFFFFFF  }
0xc1: {  	_ =	task.clear_ibuf [dreg:s7], $0x2FFFF;
	_ =	strace $0x9FFFFFFF  }
0xc2: {  	(tm) =	ssettm $0x7FFFFFFF  }
0xc3: {  	_ =	shalt  }
tec
execute0_lowered:
.L_overlay_start_1:
0x0: {  	(tag) =	ssettag $0x1  }
0x1: {  	s1 =	srdreg.scid;
	s4 =	rddreg [dreg:$0x0]  }
0x2: {  	s0 =	stileid.u32;
	s5 =	rddreg [dreg:$0x1];
	s2 =	simm.s32 $0x0  }
0x3: {  	s12 =	simm.s32 $0x100;
	s13 =	simm.s32 $0x6400;
	s14 =	simm.s32 $0xA400  }
0x4: {  	s15 =	simm.s32 $0xE400;
	s16 =	simm.s32 $0x12400;
	s17 =	simm.s32 $0x16400  }
0x5: {  	s18 =	simm.s32 $0x1;
	s19 =	simm.s32 $0x40;
	s20 =	simm.s32 $0x80  }
0x6: {  	s21 =	simm.s32 $0x2;
	s22 =	simm.s32 $0x0;
	s8 =	smul.u32 $0xC800, s0  }
0x7: {  	s6 =	sand.u32 $0x1, s1;
	s25 =	sshll.u32 s0, $0x1;
	s29 =	smul.u32 $0xC8000, s0  }
0x8: {  	[smem:$0x7FF] =	sst s2;
	s11 =	sadd.s32 $0xA00, s5;
	s10 =	smul.u32 $0x6400, s6  }
0x9: {  	s3 =	sor.u32 s6, s25;
	s9 =	ssub.s32 $0x2, s6;
	s31 =	smul.u32 $0x64000, s6  }
0xa: {  	_ =	strace $0x80000047;
	s7 =	smul.u32 $0x6400, s3;
	s26 =	sshrl.u32 s9, $0x1  }
0xb: {  	s3 =	sadd.s32 $0xF42E00, s5;
	s5 =	ssub.s32 s9, s26;
	s8 =	sadd.s32 s10, s8  }
0xc: {  	s7 =	sshrl.u32 s7, $0x3;
	s28 =	sshll.u32 s8, $0x4;
	s5 =	smax.u32 s5, $0x1  }
0xd: {  	s4 =	sadd.s32 s4, s7;
	s30 =	sadd.s32 s28, s11;
	s11 =	sadd.s32 s29, s11  }
0xe: {  	s6 =	sadd.s32 $0x4000, s30;
	s7 =	sadd.s32 $0x3000, s30;
	s8 =	sadd.s32 $0x2000, s30  }
0xf: {  	s9 =	sadd.s32 $0x1000, s30;
	s10 =	sadd.s32 s31, s11;
	s11 =	simm.s32 $0x3  }
.LBB2_1:
0x10: {  	[tilespmem:s2], [sflag:$0x3] =	stream.linear.gather [hbm4b:s4+s2], $0x6400, $0x38;
	[tilespmem:$0x1A400] =	vst v63  }
0x11: {  	_ =	swait.ge [sflag:s11], $0x6400  }
0x12: {  	[sflag:s11] =	ssyncset.done $0x0  }
0x13: {  	s23 =	simm.s32 $0x0;
	[sflag:s11] =	ssyncadd.s32 $0xFFFF9C00  }
0x14: {  	[tilespmem:s13], [sflag:$0x1] =	stream.indirect.gather [hbm4b:s3+s12], $0x40, s23, s12, $0xb8;
	[tilespmem:$0x1A400] =	vst v63  }
0x15: {  	s24 =	simm.s32 $0x100  }
0x16: {  	[tilespmem:s14], [sflag:$0x1] =	stream.indirect.gather [hbm4b:s3+s12], $0x40, s24, s12, $0xb8;
	[tilespmem:$0x1A400] =	vst v63  }
0x17: {  	s25 =	simm.s32 $0x200  }
0x18: {  	[tilespmem:s15], [sflag:$0x1] =	stream.indirect.gather [hbm4b:s3+s12], $0x40, s25, s12, $0xb8;
	[tilespmem:$0x1A400] =	vst v63  }
0x19: {  	s26 =	simm.s32 $0x300  }
0x1a: {  	[tilespmem:s16], [sflag:$0x1] =	stream.indirect.gather [hbm4b:s3+s12], $0x40, s26, s12, $0xb8;
	[tilespmem:$0x1A400] =	vst v63  }
0x1b: {  	s30 =	simm.s32 $0x400  }
0x1c: {  	[tilespmem:s17], [sflag:$0x1] =	stream.indirect.gather [hbm4b:s3+s12], $0x40, s30, s12, $0xb8;
	[tilespmem:$0x1A400] =	vst v63  }
0x1d: {  	_ =	swait.ge [sflag:s18], $0x4000  }
0x1e: {  	[sflag:s18] =	ssyncset.done $0x0  }
0x1f: {  	[sflag:s18] =	ssyncadd.s32 $0xFFFFC000  }
0x20: {  	[hbm4b:s10+s19] =	stream.strided.scatter [tilespmem:s13], [sflag:$0x2], $0x4000, s20, s19, $0x38;
	[tilespmem:$0x1A400] =	vst v63  }
0x21: {  	_ =	swait.ge [sflag:s18], $0x4000  }
0x22: {  	[sflag:s18] =	ssyncset.done $0x0  }
0x23: {  	[sflag:s18] =	ssyncadd.s32 $0xFFFFC000  }
0x24: {  	[hbm4b:s9+s19] =	stream.strided.scatter [tilespmem:s14], [sflag:$0x2], $0x4000, s20, s19, $0x38;
	[tilespmem:$0x1A400] =	vst v63  }
0x25: {  	_ =	swait.ge [sflag:s18], $0x4000  }
0x26: {  	[sflag:s18] =	ssyncset.done $0x0  }
0x27: {  	[sflag:s18] =	ssyncadd.s32 $0xFFFFC000  }
0x28: {  	[hbm4b:s8+s19] =	stream.strided.scatter [tilespmem:s15], [sflag:$0x2], $0x4000, s20, s19, $0x38;
	[tilespmem:$0x1A400] =	vst v63  }
0x29: {  	_ =	swait.ge [sflag:s18], $0x4000  }
0x2a: {  	[sflag:s18] =	ssyncset.done $0x0  }
0x2b: {  	[sflag:s18] =	ssyncadd.s32 $0xFFFFC000  }
0x2c: {  	[hbm4b:s7+s19] =	stream.strided.scatter [tilespmem:s16], [sflag:$0x2], $0x4000, s20, s19, $0x38;
	[tilespmem:$0x1A400] =	vst v63  }
0x2d: {  	_ =	swait.ge [sflag:s18], $0x4000  }
0x2e: {  	[sflag:s18] =	ssyncset.done $0x0  }
0x2f: {  	[sflag:s18] =	ssyncadd.s32 $0xFFFFC000  }
0x30: {  	[hbm4b:s6+s19] =	stream.strided.scatter [tilespmem:s17], [sflag:$0x2], $0x4000, s20, s19, $0x38;
	[tilespmem:$0x1A400] =	vst v63  }
0x31: {  	_ =	swait.ge [sflag:s21], $0x4000  }
0x32: {  	[sflag:s21] =	ssyncset.done $0x0  }
0x33: {  	[sflag:s21] =	ssyncadd.s32 $0xFFFFC000  }
0x34: {  	_ =	swait.ge [sflag:s21], $0x4000  }
0x35: {  	[sflag:s21] =	ssyncset.done $0x0  }
0x36: {  	[sflag:s21] =	ssyncadd.s32 $0xFFFFC000  }
0x37: {  	_ =	swait.ge [sflag:s21], $0x4000  }
0x38: {  	[sflag:s21] =	ssyncset.done $0x0  }
0x39: {  	[sflag:s21] =	ssyncadd.s32 $0xFFFFC000  }
0x3a: {  	_ =	swait.ge [sflag:s21], $0x4000  }
0x3b: {  	s29 =	simm.s32 $0x1400;
	[sflag:s21] =	ssyncset.done $0x0  }
0x3c: {  	s31 =	simm.s32 $0x2800;
	s28 =	sadd.s32 $0x5000, s10;
	[sflag:s21] =	ssyncadd.s32 $0xFFFFC000  }
0x3d: {  	s23 =	sadd.s32 $0x5000, s6;
	s24 =	sadd.s32 $0x5000, s8;
	_ =	swait.ge [sflag:s21], $0x4000  }
0x3e: {  	s25 =	sadd.s32 $0x5000, s7;
	s26 =	sadd.s32 $0x5000, s9;
	[sflag:s21] =	ssyncset.done $0x0  }
.LBB2_2:
0x3f: {  	s1 =	sshra.s32 s29, $0x2  }
0x40: {  	[sflag:s21] =	ssyncadd.s32 $0xFFFFC000;
	s29 =	smov.u32 s31;
	s30 =	sadd.s32 $0x1400, s31  }
0x41: {  	[tilespmem:s13], [sflag:$0x1] =	stream.indirect.gather [hbm4b:s3+s12], $0x40, s1, s12, $0xb8;
	[tilespmem:$0x1A400] =	vst v63  }
0x42: {  	p0 =	sne.s32 s31, $0x17C00;
	s31 =	sadd.s32 $0x100, s1  }
0x43: {  	[tilespmem:s14], [sflag:$0x1] =	stream.indirect.gather [hbm4b:s3+s12], $0x40, s31, s12, $0xb8;
	[tilespmem:$0x1A400] =	vst v63  }
0x44: {  	s31 =	sadd.s32 $0x200, s1  }
0x45: {  	[tilespmem:s15], [sflag:$0x1] =	stream.indirect.gather [hbm4b:s3+s12], $0x40, s31, s12, $0xb8;
	[tilespmem:$0x1A400] =	vst v63  }
0x46: {  	s31 =	sadd.s32 $0x300, s1  }
0x47: {  	[tilespmem:s16], [sflag:$0x1] =	stream.indirect.gather [hbm4b:s3+s12], $0x40, s31, s12, $0xb8;
	[tilespmem:$0x1A400] =	vst v63  }
0x48: {  	s1 =	sadd.s32 $0x400, s1  }
0x49: {  	[tilespmem:s17], [sflag:$0x1] =	stream.indirect.gather [hbm4b:s3+s12], $0x40, s1, s12, $0xb8;
	[tilespmem:$0x1A400] =	vst v63  }
0x4a: {  	_ =	swait.ge [sflag:s18], $0x4000  }
0x4b: {  	[sflag:s18] =	ssyncset.done $0x0  }
0x4c: {  	[sflag:s18] =	ssyncadd.s32 $0xFFFFC000  }
0x4d: {  	[hbm4b:s28+s19] =	stream.strided.scatter [tilespmem:s13], [sflag:$0x2], $0x4000, s20, s19, $0x38;
	[tilespmem:$0x1A400] =	vst v63  }
0x4e: {  	_ =	swait.ge [sflag:s18], $0x4000  }
0x4f: {  	[sflag:s18] =	ssyncset.done $0x0  }
0x50: {  	[sflag:s18] =	ssyncadd.s32 $0xFFFFC000  }
0x51: {  	[hbm4b:s26+s19] =	stream.strided.scatter [tilespmem:s14], [sflag:$0x2], $0x4000, s20, s19, $0x38;
	[tilespmem:$0x1A400] =	vst v63  }
0x52: {  	_ =	swait.ge [sflag:s18], $0x4000  }
0x53: {  	[sflag:s18] =	ssyncset.done $0x0  }
0x54: {  	[sflag:s18] =	ssyncadd.s32 $0xFFFFC000  }
0x55: {  	[hbm4b:s24+s19] =	stream.strided.scatter [tilespmem:s15], [sflag:$0x2], $0x4000, s20, s19, $0x38;
	[tilespmem:$0x1A400] =	vst v63  }
0x56: {  	_ =	swait.ge [sflag:s18], $0x4000  }
0x57: {  	[sflag:s18] =	ssyncset.done $0x0  }
0x58: {  	[sflag:s18] =	ssyncadd.s32 $0xFFFFC000  }
0x59: {  	[hbm4b:s25+s19] =	stream.strided.scatter [tilespmem:s16], [sflag:$0x2], $0x4000, s20, s19, $0x38;
	[tilespmem:$0x1A400] =	vst v63  }
0x5a: {  	_ =	swait.ge [sflag:s18], $0x4000  }
0x5b: {  	[sflag:s18] =	ssyncset.done $0x0  }
0x5c: {  	[sflag:s18] =	ssyncadd.s32 $0xFFFFC000  }
0x5d: {  	[hbm4b:s23+s19] =	stream.strided.scatter [tilespmem:s17], [sflag:$0x2], $0x4000, s20, s19, $0x38;
	[tilespmem:$0x1A400] =	vst v63  }
0x5e: {  	_ =	swait.ge [sflag:s21], $0x4000  }
0x5f: {  	[sflag:s21] =	ssyncset.done $0x0  }
0x60: {  	[sflag:s21] =	ssyncadd.s32 $0xFFFFC000  }
0x61: {  	_ =	swait.ge [sflag:s21], $0x4000  }
0x62: {  	[sflag:s21] =	ssyncset.done $0x0  }
0x63: {  	[sflag:s21] =	ssyncadd.s32 $0xFFFFC000  }
0x64: {  	_ =	swait.ge [sflag:s21], $0x4000  }
0x65: {  	[sflag:s21] =	ssyncset.done $0x0  }
0x66: {  	[sflag:s21] =	ssyncadd.s32 $0xFFFFC000  }
.Ltmp0:
0x67: {  	_ =	swait.ge [sflag:s21], $0x4000;
	(pc) =	sbr.rel @p0 .LBB2_2-.Ltmp0, $4  }
0x68: {  	[sflag:s21] =	ssyncset.done $0x0  }
0x69: {  	s31 =	smov.u32 s30;
	s28 =	sadd.s32 $0x5000, s28;
	[sflag:s21] =	ssyncadd.s32 $0xFFFFC000  }
0x6a: {  	s26 =	sadd.s32 $0x5000, s26;
	s24 =	sadd.s32 $0x5000, s24;
	_ =	swait.ge [sflag:s21], $0x4000  }
0x6b: {  	s25 =	sadd.s32 $0x5000, s25;
	s23 =	sadd.s32 $0x5000, s23;
	[sflag:s21] =	ssyncset.done $0x0  }
0x6c: {  	s1 =	sshra.s32 s29, $0x2;
	[sflag:s21] =	ssyncadd.s32 $0xFFFFC000  }
0x6d: {  	[tilespmem:s13], [sflag:$0x1] =	stream.indirect.gather [hbm4b:s3+s12], $0x40, s1, s12, $0xb8;
	[tilespmem:$0x1A400] =	vst v63  }
0x6e: {  	s29 =	sadd.s32 $0x100, s1  }
0x6f: {  	[tilespmem:s14], [sflag:$0x1] =	stream.indirect.gather [hbm4b:s3+s12], $0x40, s29, s12, $0xb8;
	[tilespmem:$0x1A400] =	vst v63  }
0x70: {  	s30 =	sadd.s32 $0x200, s1  }
0x71: {  	[tilespmem:s15], [sflag:$0x1] =	stream.indirect.gather [hbm4b:s3+s12], $0x40, s30, s12, $0xb8;
	[tilespmem:$0x1A400] =	vst v63  }
0x72: {  	s31 =	sadd.s32 $0x300, s1  }
0x73: {  	[tilespmem:s16], [sflag:$0x1] =	stream.indirect.gather [hbm4b:s3+s12], $0x40, s31, s12, $0xb8;
	[tilespmem:$0x1A400] =	vst v63  }
0x74: {  	s1 =	sadd.s32 $0x400, s1  }
0x75: {  	[tilespmem:s17], [sflag:$0x1] =	stream.indirect.gather [hbm4b:s3+s12], $0x40, s1, s12, $0xb8;
	[tilespmem:$0x1A400] =	vst v63  }
0x76: {  	_ =	swait.ge [sflag:s18], $0x4000  }
0x77: {  	[sflag:s18] =	ssyncset.done $0x0  }
0x78: {  	[sflag:s18] =	ssyncadd.s32 $0xFFFFC000  }
0x79: {  	[hbm4b:s28+s19] =	stream.strided.scatter [tilespmem:s13], [sflag:$0x2], $0x4000, s20, s19, $0x38;
	[tilespmem:$0x1A400] =	vst v63  }
0x7a: {  	_ =	swait.ge [sflag:s18], $0x4000  }
0x7b: {  	[sflag:s18] =	ssyncset.done $0x0  }
0x7c: {  	[sflag:s18] =	ssyncadd.s32 $0xFFFFC000  }
0x7d: {  	[hbm4b:s26+s19] =	stream.strided.scatter [tilespmem:s14], [sflag:$0x2], $0x4000, s20, s19, $0x38;
	[tilespmem:$0x1A400] =	vst v63  }
0x7e: {  	_ =	swait.ge [sflag:s18], $0x4000  }
0x7f: {  	[sflag:s18] =	ssyncset.done $0x0  }
0x80: {  	[sflag:s18] =	ssyncadd.s32 $0xFFFFC000  }
0x81: {  	[hbm4b:s24+s19] =	stream.strided.scatter [tilespmem:s15], [sflag:$0x2], $0x4000, s20, s19, $0x38;
	[tilespmem:$0x1A400] =	vst v63  }
0x82: {  	_ =	swait.ge [sflag:s18], $0x4000  }
0x83: {  	[sflag:s18] =	ssyncset.done $0x0  }
0x84: {  	[sflag:s18] =	ssyncadd.s32 $0xFFFFC000  }
0x85: {  	[hbm4b:s25+s19] =	stream.strided.scatter [tilespmem:s16], [sflag:$0x2], $0x4000, s20, s19, $0x38;
	[tilespmem:$0x1A400] =	vst v63  }
0x86: {  	_ =	swait.ge [sflag:s18], $0x4000  }
0x87: {  	[sflag:s18] =	ssyncset.done $0x0  }
0x88: {  	[sflag:s18] =	ssyncadd.s32 $0xFFFFC000  }
0x89: {  	[hbm4b:s23+s19] =	stream.strided.scatter [tilespmem:s17], [sflag:$0x2], $0x4000, s20, s19, $0x38;
	[tilespmem:$0x1A400] =	vst v63  }
0x8a: {  	_ =	swait.ge [sflag:s21], $0x4000  }
0x8b: {  	[sflag:s21] =	ssyncset.done $0x0  }
0x8c: {  	[sflag:s21] =	ssyncadd.s32 $0xFFFFC000  }
0x8d: {  	_ =	swait.ge [sflag:s21], $0x4000  }
0x8e: {  	[sflag:s21] =	ssyncset.done $0x0  }
0x8f: {  	[sflag:s21] =	ssyncadd.s32 $0xFFFFC000  }
0x90: {  	_ =	swait.ge [sflag:s21], $0x4000  }
0x91: {  	[sflag:s21] =	ssyncset.done $0x0  }
0x92: {  	s22 =	sadd.s32 $0x1, s22;
	[sflag:s21] =	ssyncadd.s32 $0xFFFFC000  }
0x93: {  	p0 =	sne.s32 s22, s5;
	_ =	swait.ge [sflag:s21], $0x4000  }
.Ltmp1:
0x94: {  	[sflag:s21] =	ssyncset.done $0x0;
	(pc) =	sbr.rel @p0 .LBB2_1-.Ltmp1, $4  }
0x95: {  	[sflag:s21] =	ssyncadd.s32 $0xFFFFC000  }
0x96: {  	_ =	swait.ge [sflag:s21], $0x4000  }
0x97: {  	[sflag:s21] =	ssyncset.done $0x0  }
0x98: {  	[sflag:s21] =	ssyncadd.s32 $0xFFFFC000  }
0x99: {  	_ =	sfence.sel $0x180000  }
0x9a: {  	[bflag:$0x0] =	sbarrier.arrive $0xFFFF  }
0x9b: {  	_ =	strace $0x90000047  }
0x9c: {  	[bflag:$0x2] =	sbarrier.arrive $0xFFFF  }
0x9d: {  	p0 =	sne.s32 s0, $0x0;
	s0 =	rddreg [dreg:$0x2]  }
0x9e: {  	s0 =	sadd.s32 @!p0 $0x100000, s0  }
0x9f: {  	[sflag:s0] =	ssyncadd.tile.s32 @!p0 $0x1;
	_ =	shalt  }
.Lfunc_end2:
_tile_overlayer_lowered:
.L_overlay_start_2:
0xa0: {  	(tag) =	ssettag $0x2  }
0xa1: {  	s0 =	rddreg [dreg:$0x0];
	s2 =	stileid.u32  }
0xa2: {  	s1 =	rddreg [dreg:$0x1];
	p0 =	sne.s32 s2, $0x0  }
0xa3: {  	s3 =	rddreg [dreg:$0x2];
	[bflag:$0x3] =	sbarrier.arrive $0xFFFF;
	s2 =	simm.s32 @!p0 $0x1C03  }
0xa4: {  	[timem:s3], [sflag:s2] =	dma.local @!p0 [hbm:s0], s1  }
0xa5: {  	s0 =	simm.s32 @!p0 $0x3  }
0xa6: {  	_ =	swait.ge @!p0 [sflag:s0], s1  }
0xa7: {  	s1 =	ssub.s32 @!p0 $0x0, s1;
	[sflag:s0] =	ssyncset.done @!p0 $0x0  }
0xa8: {  	[sflag:s0] =	ssyncadd.s32 @!p0 s1  }
0xa9: {  	[bflag:$0x3] =	sbarrier.arrive $0xFFFF  }
0xaa: {  	_ =	shalt  }

// kernel: sparse-core-data-format-call.cloned.1.call-start
scs
called_computation_lowered:
.L_overlay_start_0:
0x0: {  	s2 =	sld [smem:$0x3FD9]  }
0x1: {  	s3 =	sld [smem:$0x3FFE];
	_ =	sdelay $0x1  }
0x2: {  	s1 =	srdreg.scid  }
0x3: {  	s0 =	sand.u32 $0x1, s1  }
0x4: {  	s18 =	sshll.u32 s0, $0xA;
	s2 =	sadd.s32 s3, s2  }
0x5: {  	s2 =	sadd.s32 s2, s18  }
0x6: {  	[smem:$0x3FC6] =	sst s2  }
0x7: {  	_ = 	snop  }
0x8: {  	s2 =	sld [smem:$0x3FD0];
	(tm) =	ssettm $0x1  }
0x9: {  	s19 =	sld [smem:$0x3FFB];
	_ =	sdelay $0x3  }
0xa: {  	_ =	strace s19  }
0xb: {  	s3 =	sld [smem:$0x3FFC];
	_ =	sdelay $0x3  }
0xc: {  	_ =	strace s3  }
0xd: {  	s3 =	sld [smem:$0x3FFD];
	_ =	sdelay $0x3  }
0xe: {  	_ =	strace s3  }
0xf: {  	_ =	strace $0x8FFFFFFF  }
0x10: {  	s20 =	sld [smem:$0x3FDB];
	_ =	sdelay $0x1  }
0x11: {  	s4 =	simm.s32 $_scs_section_size  }
0x12: {  	s5 =	simm.s32 $_size__tile_overlayer_lowered;
	s6 =	simm.s32 $_tile_overlayer_lowered  }
0x13: {  	s23 =	simm.s32 $0x1BFF;
	s22 =	sshll.u32 s6, $0x1;
	s3 =	sadd.s32 s4, s20  }
0x14: {  	s7 =	simm.s32 $0x0;
	s21 =	sshll.u32 s5, $0x1;
	s5 =	sadd.s32 s22, s3  }
0x15: {  	[timem:s7], [sflag:s23] =	dma.local [hbm:s5], s21  }
0x16: {  	_ =	swait.ge [sflag:s23], s21  }
0x17: {  	s4 =	ssub.s32 $0x0, s21;
	[sflag:s23] =	ssyncset.done $0x0  }
0x18: {  	[sflag:s23] =	ssyncadd.s32 s4;
	_ =	sdelay $0x1  }
0x19: {  	s24 =	simm.s32 $0x1B8B  }
0x1a: {  	_ =	swait.ge [sflag:s24], $0x1  }
0x1b: {  	[sflag:s24] =	ssyncset.done $0x0  }
0x1c: {  	s26 =	simm.s32 $0x1B8E;
	s25 =	sld [smem:$0x3FFE];
	[sflag:s24] =	ssyncadd.s32 $0xFFFFFFFF  }
0x1d: {  	s27 =	simm.s32 $execute0_lowered;
	[smem:$0x3FD2] =	sst s26  }
0x1e: {  	s5 =	sshll.u32 s27, $0x1;
	_ =	strace $0x80000049;
	[dreg:$0x1] =	wrdreg $0xFFFFFFFF  }
0x1f: {  	s28 =	simm.s32 $_size_execute0_lowered;
	s3 =	sadd.s32 s3, s5;
	[dreg:$0x0] =	wrdreg $0x0  }
0x20: {  	s5 =	sshll.u32 s28, $0x1;
	[dreg:$0x2] =	wrdreg s3  }
0x21: {  	[dreg:$0x3] =	wrdreg s5  }
0x22: {  	[dreg:$0x4] =	wrdreg $0xC0  }
0x23: {  	_ =	task [dreg:s7], $0x5FFFF  }
0x24: {  	[dreg:$0x1] =	wrdreg $0xFFFFFFFF  }
0x25: {  	[dreg:$0x0] =	wrdreg $0x60  }
0x26: {  	[dreg:$0x2] =	wrdreg s25  }
0x27: {  	[dreg:$0x3] =	wrdreg s2  }
0x28: {  	[dreg:$0x4] =	wrdreg $0x9  }
0x29: {  	_ =	task.clear_ibuf [dreg:s7], $0x5FFFF;
	_ =	strace $0x90000049  }
0x2a: {  	s29 =	simm.s32 $0x9;
	_ =	strace $0x8000004B  }
0x2b: {  	_ =	swait.ge [sflag:s29], $0x1  }
0x2c: {  	[sflag:s29] =	ssyncadd.s32 $0xFFFFFFFF  }
0x2d: {  	_ =	strace $0x9000004B  }
0x2e: {  	_ =	sfence  }
0x2f: {  	s30 =	sld [smem:$0x0];
	_ =	sdelay $0x2  }
0x30: {  	s31 =	sshll.u32 s1, $0xD;
	s1 =	sshrl.u32 s1, $0x2  }
0x31: {  	s3 =	sand.u32 $0x4000, s31;
	s1 =	sadd.s32 s1, s30  }
0x32: {  	s0 =	sor.u32 s3, s0;
	s1 =	sshll.u32 s1, $0x11  }
0x33: {  	s0 =	sor.u32 s1, s0  }
0x34: {  	s0 =	sadd.s32 $0x8F2B, s0  }
0x35: {  	[sflag:s0] =	ssyncadd.remote.s32 $0x1  }
0x36: {  	_ =	sfence.sel $0xFFFF  }
0x37: {  	[dreg:$0x0] =	wrdreg $0xFFFFFFFF;
	(pc) =	sbr.abs _section_cstart, $3  }
0x38: {  	[dreg:$0x1] =	wrdreg $0xFFFFFFFF  }
0x39: {  	_ =	task.clear_ibuf [dreg:s7], $0x2FFFF;
	_ =	strace $0x9FFFFFFF  }
0x3a: {  	(tm) =	ssettm $0x7FFFFFFF  }
0x3b: {  	_ =	shalt  }
tec
execute0_lowered:
.L_overlay_start_1:
0x0: {  	(tag) =	ssettag $0x1  }
0x1: {  	s0 =	srdreg.scid  }
0x2: {  	s1 =	sshll.u32 s0, $0x4  }
0x3: {  	s0 =	stileid.u32;
	s1 =	sand.u32 $0x10, s1  }
0x4: {  	s1 =	sor.u32 s0, s1  }
0x5: {  	s6 =	rddreg [dreg:$0x0];
	s4 =	simm.s32 $0x1;
	s2 =	sshll.u32 s1, $0x7  }
0x6: {  	s7 =	simm.s32 $0x2;
	s12 =	simm.s32 $0x0;
	s1 =	ssub.s32 $0x1000, s2  }
0x7: {  	s8 =	simm.s32 $0x8000;
	s13 =	simm.s32 $0x0;
	s3 =	sand.u32 $0xF80, s1  }
0x8: {  	s9 =	simm.s32 $0x0;
	s5 =	sshrl.u32 s1, $0xC;
	p0 =	sne.s32 s3, $0x0  }
.Ltmp0:
0x9: {  	s1 =	rddreg [dreg:$0x2];
	s4 =	simm.s32 @!p0 $0x0;
	(pc) =	sbr.rel .LBB1_1-.Ltmp0, $4  }
0xa: {  	s11 =	simm.s32 $0x0;
	s3 =	rddreg [dreg:$0x1];
	s5 =	sadd.s32 s4, s5  }
0xb: {  	_ =	strace $0x8000004A;
	s4 =	simm.s32 $0x1;
	s5 =	smul.u32 $0xC8, s5  }
0xc: {  	s6 =	sadd.s32 $0xA00, s6;
	s10 =	smov.u32 s2;
	[sflag:s4] =	ssyncpa.u1 $0x0  }
0xd: {  	p0 =	por $0x0, $0x0;
	[sflag:s7] =	ssyncpa.u1 $0x0;
	s7 =	sor.u32 $0x1, s5  }
.LBB1_4:
0xe: {  	s16 =	sshll.u32 s13, $0x3;
	s17 =	sand.u32 $0x78, s13  }
0xf: {  	s30 =	sand.u32 $0x7E00, s13;
	s12 =	sshll.u32 s12, $0xF;
	s16 =	sand.u32 $0xC00, s16  }
0x10: {  	[tilespmem:s15+$0x810 ss:$0x81] =	vst.msk $0xffff, v2;
	s31 =	sand.u32 $0x7, s13;
	s16 =	sor.u32 s17, s16;
	s17 =	sadd.s32 s3, s30  }
0x11: {  	[tilespmem:s15+$0x1020 ss:$0x81] =	vst.msk $0xffff, v0;
	s13 =	sshll.u32 s31, $0x12;
	s12 =	sadd.s32 s12, s17;
	s16 =	sshrl.u32 s16, $0x3  }
0x12: {  	[tilespmem:s15+$0x0 ss:$0x81] =	vst.msk $0xffff, v1;
	s13 =	sor.u32 $0x400, s13;
	s12 =	sadd.s32 s16, s12  }
0x13: {  	[hbm4b:s12+s13] =	stream.strided.scatter [tilespmem:s14], [sflag:$0x2], $0x2000, s8, s13, $0x20;
	[tilespmem:$0x8080] =	vst v63  }
.LBB1_5:
0x14: {  	s14 =	sadd.s32 $0x1, s9  }
0x15: {  	s12 =	sadd.s32 $0x1000, s10;
	s16 =	smov.u32 s10;
	p2 =	sgt.s32 s14, $0xC7  }
0x16: {  	s16 =	smov.u32 @p2 s12  }
0x17: {  	s14 =	simm.s32 @p2 $0x0;
	p2 =	sgt.s32 s16, $0xFFF  }
0x18: {  	s16 =	smov.u32 @p2 s2;
	p2 =	sne.s32 s11, s7  }
.Ltmp1:
0x19: {  	p1 =	slt.u32 s11, $0x2;
	(pc) =	sbr.rel @!p2 .LBB1_6-.Ltmp1, $4  }
0x1a: {  	s15 =	simm.s32 @!p1 $0x2  }
0x1b: {  	s13 =	smov.u32 s10;
	p0 =	por !p0, !p0;
	_ =	swait.ge @!p1 [sflag:s15], $0x2000  }
0x1c: {  	s12 =	smov.u32 s9;
	[sflag:s15] =	ssyncset.done @!p1 $0x0;
	s9 =	smov.u32 s14  }
0x1d: {  	s11 =	sadd.s32 $0x1, s11;
	[sflag:s15] =	ssyncadd.s32 @!p1 $0xFFFFE000;
	s10 =	smov.u32 s16  }
.LBB1_1:
0x1e: {  	p1 =	sge.u32 s11, s5  }
0x1f: {  	s14 =	sand.u32 @!p1 $0x1FFFFFF, s9  }
0x20: {  	s15 =	smulhi.u32 @!p1 $0x147AE15, s14;
	_ =	sdelay $0x1  }
0x21: {  	s15 =	smul.u32 @!p1 $0xC8, s15  }
0x22: {  	s16 =	sxor.u32 @!p1 $0xFFFFFFFF, s11;
	s17 =	smul.u32 @!p1 $0xC80, s10  }
0x23: {  	s31 =	sadd.s32 $0xFFFFFFFF, s11;
	s16 =	sshll.u32 @!p1 s16, $0xD;
	s14 =	ssub.s32 @!p1 s14, s15  }
0x24: {  	s15 =	sand.u32 @!p1 $0x2000, s16;
	s16 =	sadd.s32 @!p1 s6, s17;
	s14 =	sshll.u32 @!p1 s14, $0x4  }
0x25: {  	s17 =	simm.s32 @!p1 $0x6400;
	s14 =	sadd.s32 @!p1 s14, s16;
	s16 =	simm.s32 @!p1 $0x40  }
0x26: {  	[tilespmem:s15], [sflag:$0x1] =	stream.strided.gather @!p1 [hbm4b:s14+s16], $0x2000, s17, s16, $0x38;
	[tilespmem:$0x8080] =	vst v63  }
0x27: {  	p1 =	sge.u32 s31, s5  }
.Ltmp2:
0x28: {  	_ = 	snop;
	(pc) =	sbr.rel @p1 .LBB1_5-.Ltmp2, $1  }
0x29: {  	_ =	sdelay $0x3  }
0x2a: {  	s14 =	simm.s32 $0x1  }
0x2b: {  	_ =	swait.ge [sflag:s4], $0x2000;
	s14 =	simm.s32 @!p0 $0x0  }
0x2c: {  	[sflag:s4] =	ssyncset.done $0x0;
	s15 =	sshll.u32 s14, $0xD  }
0x2d: {  	[sflag:s4] =	ssyncadd.s32 $0xFFFFE000;
	s18 =	sor.u32 $0x20, s15  }
0x2e: {  	s14 =	smul.u32 $0x8100, s14;
	v3 =	vld [tilespmem:s18+$0x10]  }
0x2f: {  	s30 =	sand.u32 $0x1, s11;
	v2 =	vld [tilespmem:s18+$0xFFFFFFF0]  }
0x30: {  	s15 =	smul.u32 $0x8100, s30;
	s14 =	sshrl.u32 s14, $0x2;
	v0 =	vld [tilespmem:s18+$0x0]  }
0x31: {  	v1 =	vld [tilespmem:s18+$0xFFFFFFE0];
	s16 =	sor.u32 $0x4000, s14  }
0x32: {  	s31 =	sshrl.u32 s15, $0x2;
	s15 =	sadd.s32 $0x0, s16  }
0x33: {  	s17 =	simm.s32 $0x4;
	s18 =	sadd.s32 $0x40, s18;
	s14 =	sor.u32 $0x4000, s31;
	[tilespmem:s15+$0x1830 ss:$0x81] =	vst.msk $0xffff, v3  }
.LBB1_3:
0x34: {  	v3 =	vld [tilespmem:s18+$0x10];
	p1 =	sne.s32 s17, $0x1FC;
	[tilespmem:s15+$0x810 ss:$0x81] =	vst.msk $0xffff, v2;
	s19 =	smov.u32 s17;
	s17 =	sadd.s32 $0x4, s17  }
.Ltmp3:
0x35: {  	v2 =	vld [tilespmem:s18+$0xFFFFFFF0];
	[tilespmem:s15+$0x1020 ss:$0x81] =	vst.msk $0xffff, v0;
	(pc) =	sbr.rel @p1 .LBB1_3-.Ltmp3, $4  }
0x36: {  	v0 =	vld [tilespmem:s18+$0x0];
	[tilespmem:s15+$0x0 ss:$0x81] =	vst.msk $0xffff, v1  }
0x37: {  	s15 =	sshra.s32 s19, $0x2;
	v1 =	vld [tilespmem:s18+$0xFFFFFFE0]  }
0x38: {  	s15 =	sadd.s32 s15, s16  }
0x39: {  	s18 =	sadd.s32 $0x40, s18;
	[tilespmem:s15+$0x1830 ss:$0x81] =	vst.msk $0xffff, v3  }
.Ltmp4:
0x3a: {  	_ = 	snop;
	(pc) =	sbr.rel .LBB1_4-.Ltmp4, $1  }
0x3b: {  	_ =	sdelay $0x3  }
.LBB1_6:
0x3c: {  	_ =	sfence.sel $0x180000  }
0x3d: {  	s2 =	simm.s32 $0x1;
	[bflag:$0x0] =	sbarrier.arrive $0xFFFF  }
0x3e: {  	s31 =	simm.s32 $0x2;
	[sflag:s2] =	ssyncpa.u1 $0x1  }
0x3f: {  	[sflag:s31] =	ssyncpa.u1 $0x1  }
0x40: {  	p0 =	sne.s32 s0, $0x0;
	_ =	strace $0x9000004A  }
0x41: {  	s0 =	sadd.s32 @!p0 $0x100000, s1;
	[bflag:$0x2] =	sbarrier.arrive $0xFFFF  }
0x42: {  	[sflag:s0] =	ssyncadd.tile.s32 @!p0 $0x1;
	_ =	shalt  }
.Lfunc_end1:
_tile_overlayer_lowered:
.L_overlay_start_2:
0x43: {  	(tag) =	ssettag $0x2  }
0x44: {  	s0 =	rddreg [dreg:$0x0];
	s2 =	stileid.u32  }
0x45: {  	s1 =	rddreg [dreg:$0x1];
	p0 =	sne.s32 s2, $0x0  }
0x46: {  	s3 =	rddreg [dreg:$0x2];
	[bflag:$0x3] =	sbarrier.arrive $0xFFFF;
	s2 =	simm.s32 @!p0 $0x1C01  }
0x47: {  	[timem:s3], [sflag:s2] =	dma.local @!p0 [hbm:s0], s1  }
0x48: {  	s0 =	simm.s32 @!p0 $0x1  }
0x49: {  	_ =	swait.ge @!p0 [sflag:s0], s1  }
0x4a: {  	s1 =	ssub.s32 @!p0 $0x0, s1;
	[sflag:s0] =	ssyncset.done @!p0 $0x0  }
0x4b: {  	[sflag:s0] =	ssyncadd.s32 @!p0 s1  }
0x4c: {  	[bflag:$0x3] =	sbarrier.arrive $0xFFFF  }
0x4d: {  	_ =	shalt  }

</sc_bundles>
